<compile_context>
chip_gen: v7x
topology: tpu7x:2x2x1
jax: 0.10.2.dev20260603
libtpu: 0.0.44.dev20260713+nightly
codegen_flags: <defaults>
</compile_context>

<pallas_src>
import jax
import jax.numpy as jnp
from jax import lax
from jax.experimental import pallas as pl
from jax.experimental.pallas import tpu as pltpu
from jax.experimental.pallas import tpu_sc as plsc

N = 10000
NPAD = 10240
E = 320000
EPAD = 327680
NSC = 2
NTILE = 16
K = 128
ROWS_PER_TILE = NPAD // NTILE


DT = jnp.float32


def _f32(*shape):
    return jax.ShapeDtypeStruct(shape, jnp.float32)



def _make_sc_agg(with_deg, edge_split):
    n_workers = NSC * NTILE if edge_split else NTILE
    per_tile = EPAD // n_workers
    ch = per_tile // K
    half = ch // 2
    S = 32 if not edge_split else 40
    n_super = ch // S
    SK = S * K

    n_tab = 1 if edge_split else 2
    n_in = n_tab + 3 + (1 if with_deg else 0)
    n_out = 2 + (1 if with_deg else 0)

    out_type = [jax.ShapeDtypeStruct((NPAD, 128), DT), jax.ShapeDtypeStruct((NPAD, 128), DT)]
    if with_deg:
        out_type.append(_f32(2 * NPAD))

    scratch = [
        pltpu.VMEM_SHARED((NPAD, 128), DT),
        pltpu.VMEM((SK,), jnp.int32),
        pltpu.VMEM((SK,), jnp.int32),
        pltpu.VMEM((K,), jnp.int32),
        pltpu.VMEM((K, 128), DT),
        pltpu.VMEM((K, 128), DT),
        pltpu.SemaphoreType.DMA,
        pltpu.SemaphoreType.DMA,
    ]
    if with_deg:
        scratch.append(pltpu.VMEM_SHARED((NPAD,), jnp.float32))
        scratch.append(pltpu.VMEM((K,), jnp.float32))
        scratch.append(pltpu.SemaphoreType.DMA)

    def body(*refs):
        ins = refs[:n_in]
        outs = refs[n_in:n_in + n_out]
        scr = refs[n_in + n_out:]
        tabs = ins[:n_tab]
        src1, dst1, zeros2d = ins[n_tab:n_tab + 3]
        if with_deg:
            zeros1d = ins[n_tab + 3]
            out_deg = outs[2]
            (acc_sh, sidx, didx, dbuf, rows0, rows1, sem0, sem1,
             deg_sh, ones_v, dsem) = scr
        else:
            acc_sh, sidx, didx, dbuf, rows0, rows1, sem0, sem1 = scr
        out_a, out_b = outs[0], outs[1]

        cid = lax.axis_index("c")
        sid = lax.axis_index("s")
        row0 = sid * ROWS_PER_TILE
        base = (cid * NTILE + sid) * per_tile if edge_split else sid * per_tile

        pltpu.sync_copy(zeros2d.at[pl.ds(row0, ROWS_PER_TILE)],
                        acc_sh.at[pl.ds(row0, ROWS_PER_TILE)])
        if with_deg:
            pltpu.sync_copy(zeros1d.at[pl.ds(row0, ROWS_PER_TILE)],
                            deg_sh.at[pl.ds(row0, ROWS_PER_TILE)])
            for j in range(K // 16):
                ones_v[pl.ds(j * 16, 16)] = jnp.ones((16,), jnp.float32)
        plsc.subcore_barrier()

        def gather(q, buf, sem):
            idx = sidx.at[pl.ds(q * K, K)]
            if edge_split:
                pltpu.async_copy(tabs[0].at[idx], buf, sem)
            else:
                @pl.when(cid == 0)
                def _():
                    pltpu.async_copy(tabs[0].at[idx], buf, sem)

                @pl.when(cid == 1)
                def _():
                    pltpu.async_copy(tabs[1].at[idx], buf, sem)

        def gwait(buf, sem):
            pltpu.make_async_copy(tabs[0].at[sidx.at[pl.ds(0, K)]],
                                  buf, sem).wait()

        def deg_cond(jglob):
            return lax.select(cid == 0, jglob < half, jglob >= half)

        def scatter(q, jglob, buf):
            if with_deg:
                @pl.when(jnp.logical_and(jglob >= 1, deg_cond(jglob - 1)))
                def _():
                    pltpu.make_async_copy(ones_v, deg_sh.at[dbuf], dsem).wait()
            off = q * K
            for i in range(K // 16):
                dbuf[pl.ds(i * 16, 16)] = didx[pl.ds(off + i * 16, 16)]
            pltpu.sync_copy(buf, acc_sh.at[dbuf], add=True)
            if with_deg:
                @pl.when(deg_cond(jglob))
                def _():
                    pltpu.async_copy(ones_v, deg_sh.at[dbuf], dsem, add=True)

        def super_chunk(s, carry):
            sbase = base + s * SK
            pltpu.sync_copy(src1.at[pl.ds(sbase, SK)], sidx)
            pltpu.sync_copy(dst1.at[pl.ds(sbase, SK)], didx)

            gather(0, rows0, sem0)
            gather(1, rows1, sem1)

            def pair(q2, c2):
                a = 2 * q2
                gwait(rows0, sem0)
                scatter(a, s * S + a, rows0)

                @pl.when(a + 2 < S)
                def _():
                    gather(a + 2, rows0, sem0)

                gwait(rows1, sem1)
                scatter(a + 1, s * S + a + 1, rows1)

                @pl.when(a + 3 < S)
                def _():
                    gather(a + 3, rows1, sem1)

                return c2

            lax.fori_loop(0, S // 2, pair, 0)
            return carry

        lax.fori_loop(0, n_super, super_chunk, 0)
        if with_deg:
            @pl.when(deg_cond(ch - 1))
            def _():
                pltpu.make_async_copy(ones_v, deg_sh.at[dbuf], dsem).wait()

        plsc.subcore_barrier()

        @pl.when(cid == 0)
        def _():
            pltpu.sync_copy(acc_sh.at[pl.ds(row0, ROWS_PER_TILE)],
                            out_a.at[pl.ds(row0, ROWS_PER_TILE)])

        @pl.when(cid == 1)
        def _():
            pltpu.sync_copy(acc_sh.at[pl.ds(row0, ROWS_PER_TILE)],
                            out_b.at[pl.ds(row0, ROWS_PER_TILE)])

        if with_deg:
            pltpu.sync_copy(deg_sh.at[pl.ds(row0, ROWS_PER_TILE)],
                            out_deg.at[pl.ds(cid * NPAD + row0, ROWS_PER_TILE)])

    mesh = plsc.VectorSubcoreMesh(core_axis_name="c", subcore_axis_name="s")
    name = "sc_agg_l2" if edge_split else "sc_agg_l1"
    return pl.kernel(body, out_type=tuple(out_type), mesh=mesh,
                     scratch_types=scratch, name=name)



_BLK = 2000
_GRID = N // _BLK


def _row_spec(r, c):
    return pl.BlockSpec((r, c), lambda i: (i, 0))


def _full_spec(r, c):
    return pl.BlockSpec((r, c), lambda i: (0, 0))


def _stage_a_tabs(ori, struc, Wn1o, Wn1s):
    def body(x_o, x_s, wno, wns, t_o, t_s):
        t_o[...] = jnp.dot(x_o[...], wno[...],
                           preferred_element_type=jnp.float32).astype(DT)
        t_s[...] = jnp.dot(x_s[...], wns[...],
                           preferred_element_type=jnp.float32).astype(DT)

    return pl.pallas_call(
        body,
        grid=(_GRID,),
        in_specs=[_row_spec(_BLK, 128), _row_spec(_BLK, 128),
                  _full_spec(128, 128), _full_spec(128, 128)],
        out_specs=[_row_spec(_BLK, 128), _row_spec(_BLK, 128)],
        out_shape=[jax.ShapeDtypeStruct((NPAD, 128), DT),
                   jax.ShapeDtypeStruct((NPAD, 128), DT)],
    )(ori, struc, Wn1o, Wn1s)


def _stage_a_self(ori, struc, Ws1o, b1o, Ws1s, b1s):
    def body(x_o, x_s, wso, bo, wss, bs, s_o, s_s):
        s_o[...] = jnp.dot(x_o[...], wso[...],
                           preferred_element_type=jnp.float32) + bo[...]
        s_s[...] = jnp.dot(x_s[...], wss[...],
                           preferred_element_type=jnp.float32) + bs[...]

    return pl.pallas_call(
        body,
        grid=(_GRID,),
        in_specs=[_row_spec(_BLK, 128), _row_spec(_BLK, 128),
                  _full_spec(128, 128), _full_spec(1, 128),
                  _full_spec(128, 128), _full_spec(1, 128)],
        out_specs=[_row_spec(_BLK, 128), _row_spec(_BLK, 128)],
        out_shape=[_f32(N, 128), _f32(N, 128)],
    )(ori, struc, Ws1o, b1o.reshape(1, 128), Ws1s, b1s.reshape(1, 128))


def _hidden(a_o, a_s, d_a, d_b, s1o, s1s):
    r = 1.0 / jnp.maximum(d_a[...] + d_b[...], 1.0)
    h_o = jax.nn.relu(s1o[...] + a_o[...].astype(jnp.float32) * r)
    h_s = jax.nn.relu(s1s[...] + a_s[...].astype(jnp.float32) * r)
    return h_o, h_s


_C_IN_SPECS = [_row_spec(_BLK, 128), _row_spec(_BLK, 128),
               _row_spec(_BLK, 1), _row_spec(_BLK, 1),
               _row_spec(_BLK, 128), _row_spec(_BLK, 128)]


def _stage_c_tab(Ao, As, dega, degb, S1o, S1s, Wn2o, Wn2s):
    def body(a_o, a_s, d_a, d_b, s1o, s1s, wno, wns, tab2):
        h_o, h_s = _hidden(a_o, a_s, d_a, d_b, s1o, s1s)
        t_o = jnp.dot(h_o, wno[...], preferred_element_type=jnp.float32)
        t_s = jnp.dot(h_s, wns[...], preferred_element_type=jnp.float32)
        tab2[...] = jnp.concatenate([t_o, t_s], axis=1).astype(DT)

    return pl.pallas_call(
        body,
        grid=(_GRID,),
        in_specs=_C_IN_SPECS + [_full_spec(128, 64), _full_spec(128, 64)],
        out_specs=[_row_spec(_BLK, 128)],
        out_shape=[jax.ShapeDtypeStruct((NPAD, 128), DT)],
    )(Ao, As, dega, degb, S1o, S1s, Wn2o, Wn2s)[0]


def _stage_c_self(Ao, As, dega, degb, S1o, S1s, Ws2o, b2o, Ws2s, b2s):
    def body(a_o, a_s, d_a, d_b, s1o, s1s, wso, bo, wss, bs, s2):
        h_o, h_s = _hidden(a_o, a_s, d_a, d_b, s1o, s1s)
        so = jnp.dot(h_o, wso[...], preferred_element_type=jnp.float32) + bo[...]
        ss = jnp.dot(h_s, wss[...], preferred_element_type=jnp.float32) + bs[...]
        s2[...] = jnp.concatenate([so, ss], axis=1)

    return pl.pallas_call(
        body,
        grid=(_GRID,),
        in_specs=_C_IN_SPECS + [_full_spec(128, 64), _full_spec(1, 64),
                                _full_spec(128, 64), _full_spec(1, 64)],
        out_specs=[_row_spec(_BLK, 128)],
        out_shape=[_f32(N, 128)],
    )(Ao, As, dega, degb, S1o, S1s,
      Ws2o, b2o.reshape(1, 64), Ws2s, b2s.reshape(1, 64))[0]


def _stage_e(A2p0, A2p1, dega, degb, S2, W1, b1, W2, b2):
    def body(a0, a1, d_a, d_b, s2, w1, bb1, w2, bb2, out):
        r = 1.0 / jnp.maximum(d_a[...] + d_b[...], 1.0)
        h2 = s2[...] + (a0[...].astype(jnp.float32)
                        + a1[...].astype(jnp.float32)) * r
        z = jax.nn.relu(jnp.dot(h2, w1[...], preferred_element_type=jnp.float32)
                        + bb1[...])
        out[...] = jnp.dot(z, w2[...], preferred_element_type=jnp.float32) + bb2[...]

    return pl.pallas_call(
        body,
        grid=(_GRID,),
        in_specs=[_row_spec(_BLK, 128), _row_spec(_BLK, 128),
                  _row_spec(_BLK, 1), _row_spec(_BLK, 1),
                  _row_spec(_BLK, 128),
                  _full_spec(128, 128), _full_spec(1, 128),
                  _full_spec(128, 64), _full_spec(1, 64)],
        out_specs=[_row_spec(_BLK, 64)],
        out_shape=[_f32(N, 64)],
    )(A2p0, A2p1, dega, degb, S2, W1, b1.reshape(1, 128), W2, b2.reshape(1, 64))[0]



def kernel(ori_feat, struc_feat, edge_index, Ws1o, Wn1o, b1o, Ws2o, Wn2o, b2o,
           Ws1s, Wn1s, b1s, Ws2s, Wn2s, b2s, mlp_W1, mlp_b1, mlp_W2, mlp_b2):
    pad = EPAD - E
    pad_i = jnp.arange(pad, dtype=jnp.int32)
    src2 = jnp.concatenate([edge_index[0], pad_i % N])
    dst2 = jnp.concatenate([edge_index[1], N + pad_i % (NPAD - N)])
    zeros2d = jnp.zeros((NPAD, 128), DT)
    zeros1d = jnp.zeros((NPAD,), jnp.float32)

    tab1o, tab1s = _stage_a_tabs(ori_feat, struc_feat, Wn1o, Wn1s)
    S1o, S1s = _stage_a_self(ori_feat, struc_feat, Ws1o, b1o, Ws1s, b1s)

    Ao, As, deg2 = _make_sc_agg(True, False)(
        tab1o, tab1s, src2, dst2, zeros2d, zeros1d)

    dega = deg2[:N].reshape(N, 1)
    degb = deg2[NPAD:NPAD + N].reshape(N, 1)

    tab2 = _stage_c_tab(Ao[:N], As[:N], dega, degb, S1o, S1s, Wn2o, Wn2s)
    S2 = _stage_c_self(Ao[:N], As[:N], dega, degb, S1o, S1s,
                       Ws2o, b2o, Ws2s, b2s)

    A2p0, A2p1 = _make_sc_agg(False, True)(tab2, src2, dst2, zeros2d)

    return _stage_e(A2p0[:N], A2p1[:N], dega, degb, S2,
                    mlp_W1, mlp_b1, mlp_W2, mlp_b2)

# --- scband reference (transcript-rebuilt; emitter-appended) ---
"""Pipeline reference for scband-dual-graph-sagemodel-23845658427621 (READ-ONLY COPY).

The authoritative reference and input builder live on the scoring server;
editing this copy changes nothing except your own understanding.
"""

import jax, jax.numpy as jnp
import numpy as np

N = 10000
E = 320000
D = 128
H = 128
C = 64
M = 128


def _lin(k, i, o):
    return jax.random.normal(k, (i, o), dtype=jnp.float32) * 0.05


def setup_inputs(seed: int = 0) -> dict:
    key = jax.random.key(seed)
    ks = jax.random.split(key, 24)
    inp = {}
    inp["ori_feat"] = jax.random.normal(ks[0], (N, D), dtype=jnp.float32)
    inp["struc_feat"] = jax.random.normal(ks[1], (N, D), dtype=jnp.float32)
    inp["edge_index"] = jax.random.randint(ks[2], (2, E), 0, N, dtype=jnp.int32)
    # SAGEConv params: fc_self weight, fc_neigh weight, bias
    inp["Ws1o"] = _lin(ks[3], D, H); inp["Wn1o"] = _lin(ks[4], D, H); inp["b1o"] = jnp.zeros((H,), jnp.float32)
    inp["Ws2o"] = _lin(ks[5], H, C); inp["Wn2o"] = _lin(ks[6], H, C); inp["b2o"] = jnp.zeros((C,), jnp.float32)
    inp["Ws1s"] = _lin(ks[7], D, H); inp["Wn1s"] = _lin(ks[8], D, H); inp["b1s"] = jnp.zeros((H,), jnp.float32)
    inp["Ws2s"] = _lin(ks[9], H, C); inp["Wn2s"] = _lin(ks[10], H, C); inp["b2s"] = jnp.zeros((C,), jnp.float32)
    inp["mlp_W1"] = _lin(ks[11], 2 * C, M); inp["mlp_b1"] = jnp.zeros((M,), jnp.float32)
    inp["mlp_W2"] = _lin(ks[12], M, C); inp["mlp_b2"] = jnp.zeros((C,), jnp.float32)
    return inp


def _sage(x, src, dst, Ws, Wn, b, n):
    # DGL SAGEConv with 'mean' aggregator: fc_self(x) + fc_neigh(mean_{u in N(v)} x_u) + bias
    msg = x[src]
    agg = jax.ops.segment_sum(msg, dst, num_segments=n)
    deg = jax.ops.segment_sum(jnp.ones_like(dst, dtype=x.dtype), dst, num_segments=n)
    mean = agg / jnp.maximum(deg, 1.0)[:, None]
    return x @ Ws + mean @ Wn + b


def reference(ori_feat, struc_feat, edge_index, Ws1o, Wn1o, b1o, Ws2o, Wn2o, b2o, Ws1s, Wn1s, b1s, Ws2s, Wn2s, b2s, mlp_W1, mlp_b1, mlp_W2, mlp_b2):
    src = edge_index[0]
    dst = edge_index[1]
    n = ori_feat.shape[0]
    h_ori = _sage(ori_feat, src, dst, Ws1o, Wn1o, b1o, n)
    h_ori = jax.nn.relu(h_ori)
    h_ori = _sage(h_ori, src, dst, Ws2o, Wn2o, b2o, n)
    h_struc = _sage(struc_feat, src, dst, Ws1s, Wn1s, b1s, n)
    h_struc = jax.nn.relu(h_struc)
    h_struc = _sage(h_struc, src, dst, Ws2s, Wn2s, b2s, n)
    h_concat = jnp.concatenate((h_ori, h_struc), axis=1)
    h = jax.nn.relu(h_concat @ mlp_W1 + mlp_b1)
    h_reduced = h @ mlp_W2 + mlp_b2
    return h_reduced

if __name__ == "__main__":
    import jax
    _d = setup_inputs()
    print(jax.jit(kernel)(*tuple(_d.values())))

</pallas_src>

<mosaic_0001>
#map = affine_map<(d0, d1) -> (0, 0)>
#map1 = affine_map<(d0, d1) -> (0)>
module attributes {stable_mosaic.version = 14 : i64} {
  func.func @sc_agg_l1(%arg0: i32, %arg1: i32, %arg2: memref<10240x128xf32, #tpu.memory_space<hbm>>, %arg3: memref<10240x128xf32, #tpu.memory_space<hbm>>, %arg4: memref<327680xi32, #tpu.memory_space<hbm>>, %arg5: memref<327680xi32, #tpu.memory_space<hbm>>, %arg6: memref<10240x128xf32, #tpu.memory_space<hbm>>, %arg7: memref<10240xf32, #tpu.memory_space<hbm>>, %arg8: memref<10240x128xf32, #tpu.memory_space<hbm>>, %arg9: memref<10240x128xf32, #tpu.memory_space<hbm>>, %arg10: memref<20480xf32, #tpu.memory_space<hbm>>, %arg11: memref<10240x128xf32, #tpu.memory_space<vmem_shared>>, %arg12: memref<4096xi32, #tpu.memory_space<vmem>>, %arg13: memref<4096xi32, #tpu.memory_space<vmem>>, %arg14: memref<128xi32, #tpu.memory_space<vmem>>, %arg15: memref<128x128xf32, #tpu.memory_space<vmem>>, %arg16: memref<128x128xf32, #tpu.memory_space<vmem>>, %arg17: memref<!tpu.dma_semaphore, #tpu.memory_space<semaphore_mem>>, %arg18: memref<!tpu.dma_semaphore, #tpu.memory_space<semaphore_mem>>, %arg19: memref<10240xf32, #tpu.memory_space<vmem_shared>>, %arg20: memref<128xf32, #tpu.memory_space<vmem>>, %arg21: memref<!tpu.dma_semaphore, #tpu.memory_space<semaphore_mem>>) attributes {dimension_semantics = [#tpu.dimension_semantics<core_parallel>, #tpu.dimension_semantics<subcore_parallel>], iteration_bounds = array<i64: 2, 16>, scalar_prefetch = 0 : i64, scratch_operands = 11 : i64, tpu.core_type = #tpu.core_type<sc_vector_subcore>, window_params = [{transform_indices = #map}, {transform_indices = #map}, {transform_indices = #map1}, {transform_indices = #map1}, {transform_indices = #map}, {transform_indices = #map1}, {transform_indices = #map}, {transform_indices = #map}, {transform_indices = #map1}]} {
    %mul3A = arith.constant 640 : i32
    %mul3A_0 = arith.muli %arg1, %mul3A : i32
    %mul3A_1 = arith.constant 20480 : i32
    %mul3A_2 = arith.muli %arg1, %mul3A_1 : i32
    "tpu.region"() ({
      %run_scoped3A = tpu.sem_alloc : memref<!tpu.dma_semaphore, #tpu.memory_space<semaphore_mem>>
      %dma_start3A = arith.constant 0 : i32
      %dma_start3A_71 = tpu.memref_slice %arg11[%mul3A_0, %dma_start3A] : memref<10240x128xf32, #tpu.memory_space<vmem_shared>> -> memref<640x128xf32, #tpu.memory_space<vmem_shared>>
      %dma_start3A_72 = arith.constant 0 : i32
      %dma_start3A_73 = tpu.memref_slice %arg6[%mul3A_0, %dma_start3A_72] : memref<10240x128xf32, #tpu.memory_space<hbm>> -> memref<640x128xf32, #tpu.memory_space<hbm>>
      tpu.enqueue_dma source(%dma_start3A_73 : memref<640x128xf32, #tpu.memory_space<hbm>>) target(%dma_start3A_71 : memref<640x128xf32, #tpu.memory_space<vmem_shared>>) target_semaphore(%run_scoped3A : memref<!tpu.dma_semaphore, #tpu.memory_space<semaphore_mem>>)
      %dma_wait3A = arith.constant 0 : i32
      %dma_wait3A_74 = tpu.memref_slice %arg11[%mul3A_0, %dma_wait3A] : memref<10240x128xf32, #tpu.memory_space<vmem_shared>> -> memref<640x128xf32, #tpu.memory_space<vmem_shared>>
      %dma_wait3A_75 = arith.constant 0 : i32
      %dma_wait3A_76 = tpu.memref_slice %arg6[%mul3A_0, %dma_wait3A_75] : memref<10240x128xf32, #tpu.memory_space<hbm>> -> memref<640x128xf32, #tpu.memory_space<hbm>>
      tpu.wait_dma2 semaphore(%run_scoped3A : memref<!tpu.dma_semaphore, #tpu.memory_space<semaphore_mem>>) src(%dma_wait3A_76 : memref<640x128xf32, #tpu.memory_space<hbm>>) dst(%dma_wait3A_74 : memref<640x128xf32, #tpu.memory_space<vmem_shared>>)
      tpu.yield
    }) : () -> ()
    "tpu.region"() ({
      %run_scoped3A = tpu.sem_alloc : memref<!tpu.dma_semaphore, #tpu.memory_space<semaphore_mem>>
      %dma_start3A = tpu.memref_slice %arg19[%mul3A_0] : memref<10240xf32, #tpu.memory_space<vmem_shared>> -> memref<640xf32, #tpu.memory_space<vmem_shared>>
      %dma_start3A_71 = tpu.memref_slice %arg7[%mul3A_0] : memref<10240xf32, #tpu.memory_space<hbm>> -> memref<640xf32, #tpu.memory_space<hbm>>
      tpu.enqueue_dma source(%dma_start3A_71 : memref<640xf32, #tpu.memory_space<hbm>>) target(%dma_start3A : memref<640xf32, #tpu.memory_space<vmem_shared>>) target_semaphore(%run_scoped3A : memref<!tpu.dma_semaphore, #tpu.memory_space<semaphore_mem>>)
      %dma_wait3A = tpu.memref_slice %arg19[%mul3A_0] : memref<10240xf32, #tpu.memory_space<vmem_shared>> -> memref<640xf32, #tpu.memory_space<vmem_shared>>
      %dma_wait3A_72 = tpu.memref_slice %arg7[%mul3A_0] : memref<10240xf32, #tpu.memory_space<hbm>> -> memref<640xf32, #tpu.memory_space<hbm>>
      tpu.wait_dma2 semaphore(%run_scoped3A : memref<!tpu.dma_semaphore, #tpu.memory_space<semaphore_mem>>) src(%dma_wait3A_72 : memref<640xf32, #tpu.memory_space<hbm>>) dst(%dma_wait3A : memref<640xf32, #tpu.memory_space<vmem_shared>>)
      tpu.yield
    }) : () -> ()
    %broadcast_in_dim3A = arith.constant 1.000000e+00 : f32
    %broadcast_in_dim3A_3 = vector.broadcast %broadcast_in_dim3A : f32 to vector<16xf32>
    %swap3A = arith.constant 0 : index
    %swap3A_4 = tpu.vector_load %arg20[%swap3A] {strides = array<i32>} : memref<128xf32, #tpu.memory_space<vmem>>, vector<16xf32>,
    %swap3A_5 = vector.shape_cast %swap3A_4 : vector<16xf32> to vector<16xf32>
    %swap3A_6 = vector.shape_cast %broadcast_in_dim3A_3 : vector<16xf32> to vector<16xf32>
    tpu.vector_store %arg20[%swap3A], %swap3A_6 {strides = array<i32>} : memref<128xf32, #tpu.memory_space<vmem>>, vector<16xf32>,
    %broadcast_in_dim3A_7 = arith.constant 1.000000e+00 : f32
    %broadcast_in_dim3A_8 = vector.broadcast %broadcast_in_dim3A_7 : f32 to vector<16xf32>
    %swap3A_9 = arith.constant 16 : index
    %swap3A_10 = tpu.vector_load %arg20[%swap3A_9] {strides = array<i32>} : memref<128xf32, #tpu.memory_space<vmem>>, vector<16xf32>,
    %swap3A_11 = vector.shape_cast %swap3A_10 : vector<16xf32> to vector<16xf32>
    %swap3A_12 = vector.shape_cast %broadcast_in_dim3A_8 : vector<16xf32> to vector<16xf32>
    tpu.vector_store %arg20[%swap3A_9], %swap3A_12 {strides = array<i32>} : memref<128xf32, #tpu.memory_space<vmem>>, vector<16xf32>,
    %broadcast_in_dim3A_13 = arith.constant 1.000000e+00 : f32
    %broadcast_in_dim3A_14 = vector.broadcast %broadcast_in_dim3A_13 : f32 to vector<16xf32>
    %swap3A_15 = arith.constant 32 : index
    %swap3A_16 = tpu.vector_load %arg20[%swap3A_15] {strides = array<i32>} : memref<128xf32, #tpu.memory_space<vmem>>, vector<16xf32>,
    %swap3A_17 = vector.shape_cast %swap3A_16 : vector<16xf32> to vector<16xf32>
    %swap3A_18 = vector.shape_cast %broadcast_in_dim3A_14 : vector<16xf32> to vector<16xf32>
    tpu.vector_store %arg20[%swap3A_15], %swap3A_18 {strides = array<i32>} : memref<128xf32, #tpu.memory_space<vmem>>, vector<16xf32>,
    %broadcast_in_dim3A_19 = arith.constant 1.000000e+00 : f32
    %broadcast_in_dim3A_20 = vector.broadcast %broadcast_in_dim3A_19 : f32 to vector<16xf32>
    %swap3A_21 = arith.constant 48 : index
    %swap3A_22 = tpu.vector_load %arg20[%swap3A_21] {strides = array<i32>} : memref<128xf32, #tpu.memory_space<vmem>>, vector<16xf32>,
    %swap3A_23 = vector.shape_cast %swap3A_22 : vector<16xf32> to vector<16xf32>
    %swap3A_24 = vector.shape_cast %broadcast_in_dim3A_20 : vector<16xf32> to vector<16xf32>
    tpu.vector_store %arg20[%swap3A_21], %swap3A_24 {strides = array<i32>} : memref<128xf32, #tpu.memory_space<vmem>>, vector<16xf32>,
    %broadcast_in_dim3A_25 = arith.constant 1.000000e+00 : f32
    %broadcast_in_dim3A_26 = vector.broadcast %broadcast_in_dim3A_25 : f32 to vector<16xf32>
    %swap3A_27 = arith.constant 64 : index
    %swap3A_28 = tpu.vector_load %arg20[%swap3A_27] {strides = array<i32>} : memref<128xf32, #tpu.memory_space<vmem>>, vector<16xf32>,
    %swap3A_29 = vector.shape_cast %swap3A_28 : vector<16xf32> to vector<16xf32>
    %swap3A_30 = vector.shape_cast %broadcast_in_dim3A_26 : vector<16xf32> to vector<16xf32>
    tpu.vector_store %arg20[%swap3A_27], %swap3A_30 {strides = array<i32>} : memref<128xf32, #tpu.memory_space<vmem>>, vector<16xf32>,
    %broadcast_in_dim3A_31 = arith.constant 1.000000e+00 : f32
    %broadcast_in_dim3A_32 = vector.broadcast %broadcast_in_dim3A_31 : f32 to vector<16xf32>
    %swap3A_33 = arith.constant 80 : index
    %swap3A_34 = tpu.vector_load %arg20[%swap3A_33] {strides = array<i32>} : memref<128xf32, #tpu.memory_space<vmem>>, vector<16xf32>,
    %swap3A_35 = vector.shape_cast %swap3A_34 : vector<16xf32> to vector<16xf32>
    %swap3A_36 = vector.shape_cast %broadcast_in_dim3A_32 : vector<16xf32> to vector<16xf32>
    tpu.vector_store %arg20[%swap3A_33], %swap3A_36 {strides = array<i32>} : memref<128xf32, #tpu.memory_space<vmem>>, vector<16xf32>,
    %broadcast_in_dim3A_37 = arith.constant 1.000000e+00 : f32
    %broadcast_in_dim3A_38 = vector.broadcast %broadcast_in_dim3A_37 : f32 to vector<16xf32>
    %swap3A_39 = arith.constant 96 : index
    %swap3A_40 = tpu.vector_load %arg20[%swap3A_39] {strides = array<i32>} : memref<128xf32, #tpu.memory_space<vmem>>, vector<16xf32>,
    %swap3A_41 = vector.shape_cast %swap3A_40 : vector<16xf32> to vector<16xf32>
    %swap3A_42 = vector.shape_cast %broadcast_in_dim3A_38 : vector<16xf32> to vector<16xf32>
    tpu.vector_store %arg20[%swap3A_39], %swap3A_42 {strides = array<i32>} : memref<128xf32, #tpu.memory_space<vmem>>, vector<16xf32>,
    %broadcast_in_dim3A_43 = arith.constant 1.000000e+00 : f32
    %broadcast_in_dim3A_44 = vector.broadcast %broadcast_in_dim3A_43 : f32 to vector<16xf32>
    %swap3A_45 = arith.constant 112 : index
    %swap3A_46 = tpu.vector_load %arg20[%swap3A_45] {strides = array<i32>} : memref<128xf32, #tpu.memory_space<vmem>>, vector<16xf32>,
    %swap3A_47 = vector.shape_cast %swap3A_46 : vector<16xf32> to vector<16xf32>
    %swap3A_48 = vector.shape_cast %broadcast_in_dim3A_44 : vector<16xf32> to vector<16xf32>
    tpu.vector_store %arg20[%swap3A_45], %swap3A_48 {strides = array<i32>} : memref<128xf32, #tpu.memory_space<vmem>>, vector<16xf32>,
    %barrier3A = arith.constant 0 : index
    tpu.barrier barrier_id(%barrier3A)
    %scan3A = arith.constant 0 : i32
    %scan3A_49 = arith.constant 0 : i32
    %scan3A_50 = arith.constant 5 : i32
    %scan3A_51 = arith.addi %scan3A_49, %scan3A_50 : i32
    %scan3A_52 = arith.constant 1 : i32
    scf.for %scan3A_71 = %scan3A_49 to %scan3A_51 step %scan3A_52  : i32 {
      %mul3A_72 = arith.constant 4096 : i32
      %mul3A_73 = arith.muli %scan3A_71, %mul3A_72 : i32
      %add3A_74 = arith.addi %mul3A_2, %mul3A_73 : i32
      "tpu.region"() ({
        %run_scoped3A = tpu.sem_alloc : memref<!tpu.dma_semaphore, #tpu.memory_space<semaphore_mem>>
        %dma_start3A = tpu.memref_slice %arg4[%add3A_74] : memref<327680xi32, #tpu.memory_space<hbm>> -> memref<4096xi32, #tpu.memory_space<hbm>>
        %dma_start3A_101 = tpu.memref_slice %arg4[%add3A_74] : memref<327680xi32, #tpu.memory_space<hbm>> -> memref<4096xi32, #tpu.memory_space<hbm>>
        tpu.enqueue_dma source(%dma_start3A_101 : memref<4096xi32, #tpu.memory_space<hbm>>) target(%arg12 : memref<4096xi32, #tpu.memory_space<vmem>>) target_semaphore(%run_scoped3A : memref<!tpu.dma_semaphore, #tpu.memory_space<semaphore_mem>>)
        %dma_wait3A = tpu.memref_slice %arg4[%add3A_74] : memref<327680xi32, #tpu.memory_space<hbm>> -> memref<4096xi32, #tpu.memory_space<hbm>>
        %dma_wait3A_102 = tpu.memref_slice %arg4[%add3A_74] : memref<327680xi32, #tpu.memory_space<hbm>> -> memref<4096xi32, #tpu.memory_space<hbm>>
        tpu.wait_dma2 semaphore(%run_scoped3A : memref<!tpu.dma_semaphore, #tpu.memory_space<semaphore_mem>>) src(%dma_wait3A_102 : memref<4096xi32, #tpu.memory_space<hbm>>) dst(%arg12 : memref<4096xi32, #tpu.memory_space<vmem>>)
        tpu.yield
      }) : () -> ()
      "tpu.region"() ({
        %run_scoped3A = tpu.sem_alloc : memref<!tpu.dma_semaphore, #tpu.memory_space<semaphore_mem>>
        %dma_start3A = tpu.memref_slice %arg5[%add3A_74] : memref<327680xi32, #tpu.memory_space<hbm>> -> memref<4096xi32, #tpu.memory_space<hbm>>
        %dma_start3A_101 = tpu.memref_slice %arg5[%add3A_74] : memref<327680xi32, #tpu.memory_space<hbm>> -> memref<4096xi32, #tpu.memory_space<hbm>>
        tpu.enqueue_dma source(%dma_start3A_101 : memref<4096xi32, #tpu.memory_space<hbm>>) target(%arg13 : memref<4096xi32, #tpu.memory_space<vmem>>) target_semaphore(%run_scoped3A : memref<!tpu.dma_semaphore, #tpu.memory_space<semaphore_mem>>)
        %dma_wait3A = tpu.memref_slice %arg5[%add3A_74] : memref<327680xi32, #tpu.memory_space<hbm>> -> memref<4096xi32, #tpu.memory_space<hbm>>
        %dma_wait3A_102 = tpu.memref_slice %arg5[%add3A_74] : memref<327680xi32, #tpu.memory_space<hbm>> -> memref<4096xi32, #tpu.memory_space<hbm>>
        tpu.wait_dma2 semaphore(%run_scoped3A : memref<!tpu.dma_semaphore, #tpu.memory_space<semaphore_mem>>) src(%dma_wait3A_102 : memref<4096xi32, #tpu.memory_space<hbm>>) dst(%arg13 : memref<4096xi32, #tpu.memory_space<vmem>>)
        tpu.yield
      }) : () -> ()
      %eq3A_75 = arith.constant 0 : i32
      %eq3A_76 = arith.cmpi eq, %arg0, %eq3A_75 : i32
      %convert_element_type3A_77 = arith.extui %eq3A_76 : i1 to i32
      %cond3A_78 = arith.constant 0 : i32
      %cond3A_79 = arith.cmpi ne, %convert_element_type3A_77, %cond3A_78 : i32
      scf.if %cond3A_79 {
        %dma_start3A = arith.constant 0 : i32
        %dma_start3A_101 = tpu.memref_slice %arg12[%dma_start3A] : memref<4096xi32, #tpu.memory_space<vmem>> -> memref<128xi32, #tpu.memory_space<vmem>>
        %dma_start3A_102 = arith.constant 0 : i32
        %dma_start3A_103 = arith.constant 0 : i32
        %dma_start3A_104 = tpu.memref_slice %arg2[%dma_start3A_102, %dma_start3A_103] : memref<10240x128xf32, #tpu.memory_space<hbm>> -> memref<10240x128xf32, #tpu.memory_space<hbm>>
        tpu.enqueue_indirect_dma source(%dma_start3A_104 : memref<10240x128xf32, #tpu.memory_space<hbm>>) target(%arg15 : memref<128x128xf32, #tpu.memory_space<vmem>>) offsets(%dma_start3A_101 : memref<128xi32, #tpu.memory_space<vmem>>) semaphore(%arg17 : memref<!tpu.dma_semaphore, #tpu.memory_space<semaphore_mem>>)
      } else {
      }
      %eq3A_80 = arith.constant 1 : i32
      %eq3A_81 = arith.cmpi eq, %arg0, %eq3A_80 : i32
      %convert_element_type3A_82 = arith.extui %eq3A_81 : i1 to i32
      %cond3A_83 = arith.constant 0 : i32
      %cond3A_84 = arith.cmpi ne, %convert_element_type3A_82, %cond3A_83 : i32
      scf.if %cond3A_84 {
        %dma_start3A = arith.constant 0 : i32
        %dma_start3A_101 = tpu.memref_slice %arg12[%dma_start3A] : memref<4096xi32, #tpu.memory_space<vmem>> -> memref<128xi32, #tpu.memory_space<vmem>>
        %dma_start3A_102 = arith.constant 0 : i32
        %dma_start3A_103 = arith.constant 0 : i32
        %dma_start3A_104 = tpu.memref_slice %arg3[%dma_start3A_102, %dma_start3A_103] : memref<10240x128xf32, #tpu.memory_space<hbm>> -> memref<10240x128xf32, #tpu.memory_space<hbm>>
        tpu.enqueue_indirect_dma source(%dma_start3A_104 : memref<10240x128xf32, #tpu.memory_space<hbm>>) target(%arg15 : memref<128x128xf32, #tpu.memory_space<vmem>>) offsets(%dma_start3A_101 : memref<128xi32, #tpu.memory_space<vmem>>) semaphore(%arg17 : memref<!tpu.dma_semaphore, #tpu.memory_space<semaphore_mem>>)
      } else {
      }
      %eq3A_85 = arith.constant 0 : i32
      %eq3A_86 = arith.cmpi eq, %arg0, %eq3A_85 : i32
      %convert_element_type3A_87 = arith.extui %eq3A_86 : i1 to i32
      %cond3A_88 = arith.constant 0 : i32
      %cond3A_89 = arith.cmpi ne, %convert_element_type3A_87, %cond3A_88 : i32
      scf.if %cond3A_89 {
        %dma_start3A = arith.constant 128 : i32
        %dma_start3A_101 = tpu.memref_slice %arg12[%dma_start3A] : memref<4096xi32, #tpu.memory_space<vmem>> -> memref<128xi32, #tpu.memory_space<vmem>>
        %dma_start3A_102 = arith.constant 0 : i32
        %dma_start3A_103 = arith.constant 0 : i32
        %dma_start3A_104 = tpu.memref_slice %arg2[%dma_start3A_102, %dma_start3A_103] : memref<10240x128xf32, #tpu.memory_space<hbm>> -> memref<10240x128xf32, #tpu.memory_space<hbm>>
        tpu.enqueue_indirect_dma source(%dma_start3A_104 : memref<10240x128xf32, #tpu.memory_space<hbm>>) target(%arg16 : memref<128x128xf32, #tpu.memory_space<vmem>>) offsets(%dma_start3A_101 : memref<128xi32, #tpu.memory_space<vmem>>) semaphore(%arg18 : memref<!tpu.dma_semaphore, #tpu.memory_space<semaphore_mem>>)
      } else {
      }
      %eq3A_90 = arith.constant 1 : i32
      %eq3A_91 = arith.cmpi eq, %arg0, %eq3A_90 : i32
      %convert_element_type3A_92 = arith.extui %eq3A_91 : i1 to i32
      %cond3A_93 = arith.constant 0 : i32
      %cond3A_94 = arith.cmpi ne, %convert_element_type3A_92, %cond3A_93 : i32
      scf.if %cond3A_94 {
        %dma_start3A = arith.constant 128 : i32
        %dma_start3A_101 = tpu.memref_slice %arg12[%dma_start3A] : memref<4096xi32, #tpu.memory_space<vmem>> -> memref<128xi32, #tpu.memory_space<vmem>>
        %dma_start3A_102 = arith.constant 0 : i32
        %dma_start3A_103 = arith.constant 0 : i32
        %dma_start3A_104 = tpu.memref_slice %arg3[%dma_start3A_102, %dma_start3A_103] : memref<10240x128xf32, #tpu.memory_space<hbm>> -> memref<10240x128xf32, #tpu.memory_space<hbm>>
        tpu.enqueue_indirect_dma source(%dma_start3A_104 : memref<10240x128xf32, #tpu.memory_space<hbm>>) target(%arg16 : memref<128x128xf32, #tpu.memory_space<vmem>>) offsets(%dma_start3A_101 : memref<128xi32, #tpu.memory_space<vmem>>) semaphore(%arg18 : memref<!tpu.dma_semaphore, #tpu.memory_space<semaphore_mem>>)
      } else {
      }
      %scan3A_95 = arith.constant 0 : i32
      %scan3A_96 = arith.constant 0 : i32
      %scan3A_97 = arith.constant 16 : i32
      %scan3A_98 = arith.addi %scan3A_96, %scan3A_97 : i32
      %scan3A_99 = arith.constant 1 : i32
      scf.for %scan3A_101 = %scan3A_96 to %scan3A_98 step %scan3A_99  : i32 {
        %mul3A_102 = arith.constant 2 : i32
        %mul3A_103 = arith.muli %mul3A_102, %scan3A_101 : i32
        %dma_wait3A = arith.constant 0 : i32
        %dma_wait3A_104 = tpu.memref_slice %arg12[%dma_wait3A] : memref<4096xi32, #tpu.memory_space<vmem>> -> memref<128xi32, #tpu.memory_space<vmem>>
        %dma_wait3A_105 = arith.constant 0 : i32
        %dma_wait3A_106 = arith.constant 0 : i32
        %dma_wait3A_107 = tpu.memref_slice %arg2[%dma_wait3A_105, %dma_wait3A_106] : memref<10240x128xf32, #tpu.memory_space<hbm>> -> memref<10240x128xf32, #tpu.memory_space<hbm>>
        tpu.wait_indirect_dma semaphore(%arg17 : memref<!tpu.dma_semaphore, #tpu.memory_space<semaphore_mem>>) src(%dma_wait3A_107 : memref<10240x128xf32, #tpu.memory_space<hbm>>) dst(%arg15 : memref<128x128xf32, #tpu.memory_space<vmem>>)
        %mul3A_108 = arith.constant 32 : i32
        %mul3A_109 = arith.muli %scan3A_71, %mul3A_108 : i32
        %add3A_110 = arith.addi %mul3A_109, %mul3A_103 : i32
        %ge3A = arith.constant 1 : i32
        %ge3A_111 = arith.cmpi sge, %add3A_110, %ge3A : i32
        %sub3A = arith.constant 1 : i32
        %sub3A_112 = arith.subi %add3A_110, %sub3A : i32
        %eq3A_113 = arith.constant 0 : i32
        %eq3A_114 = arith.cmpi eq, %arg0, %eq3A_113 : i32
        %lt3A = arith.constant 80 : i32
        %lt3A_115 = arith.cmpi slt, %sub3A_112, %lt3A : i32
        %ge3A_116 = arith.constant 80 : i32
        %ge3A_117 = arith.cmpi sge, %sub3A_112, %ge3A_116 : i32
        %select_n3A_118 = arith.select %eq3A_114, %lt3A_115, %ge3A_117 : i1
        %and3A = arith.andi %ge3A_111, %select_n3A_118 : i1
        %convert_element_type3A_119 = arith.extui %and3A : i1 to i32
        %cond3A_120 = arith.constant 0 : i32
        %cond3A_121 = arith.cmpi ne, %convert_element_type3A_119, %cond3A_120 : i32
        scf.if %cond3A_121 {
          %dma_wait3A_330 = arith.constant 0 : i32
          %dma_wait3A_331 = tpu.memref_slice %arg19[%dma_wait3A_330] : memref<10240xf32, #tpu.memory_space<vmem_shared>> -> memref<10240xf32, #tpu.memory_space<vmem_shared>>
          tpu.wait_indirect_dma semaphore(%arg21 : memref<!tpu.dma_semaphore, #tpu.memory_space<semaphore_mem>>) src(%arg20 : memref<128xf32, #tpu.memory_space<vmem>>) dst(%dma_wait3A_331 : memref<10240xf32, #tpu.memory_space<vmem_shared>>)
        } else {
        }
        %mul3A_122 = arith.constant 128 : i32
        %mul3A_123 = arith.muli %mul3A_103, %mul3A_122 : i32
        %add3A_124 = arith.constant 0 : i32
        %add3A_125 = arith.addi %mul3A_123, %add3A_124 : i32
        %get3A = arith.index_cast %add3A_125 : i32 to index
        %get3A_126 = tpu.vector_load %arg13[%get3A] {strides = array<i32>} : memref<4096xi32, #tpu.memory_space<vmem>>, vector<16xi32>,
        %get3A_127 = vector.shape_cast %get3A_126 : vector<16xi32> to vector<16xi32>
        %swap3A_128 = arith.constant 0 : index
        %swap3A_129 = tpu.vector_load %arg14[%swap3A_128] {strides = array<i32>} : memref<128xi32, #tpu.memory_space<vmem>>, vector<16xi32>,
        %swap3A_130 = vector.shape_cast %swap3A_129 : vector<16xi32> to vector<16xi32>
        %swap3A_131 = vector.shape_cast %get3A_127 : vector<16xi32> to vector<16xi32>
        tpu.vector_store %arg14[%swap3A_128], %swap3A_131 {strides = array<i32>} : memref<128xi32, #tpu.memory_space<vmem>>, vector<16xi32>,
        %add3A_132 = arith.constant 16 : i32
        %add3A_133 = arith.addi %mul3A_123, %add3A_132 : i32
        %get3A_134 = arith.index_cast %add3A_133 : i32 to index
        %get3A_135 = tpu.vector_load %arg13[%get3A_134] {strides = array<i32>} : memref<4096xi32, #tpu.memory_space<vmem>>, vector<16xi32>,
        %get3A_136 = vector.shape_cast %get3A_135 : vector<16xi32> to vector<16xi32>
        %swap3A_137 = arith.constant 16 : index
        %swap3A_138 = tpu.vector_load %arg14[%swap3A_137] {strides = array<i32>} : memref<128xi32, #tpu.memory_space<vmem>>, vector<16xi32>,
        %swap3A_139 = vector.shape_cast %swap3A_138 : vector<16xi32> to vector<16xi32>
        %swap3A_140 = vector.shape_cast %get3A_136 : vector<16xi32> to vector<16xi32>
        tpu.vector_store %arg14[%swap3A_137], %swap3A_140 {strides = array<i32>} : memref<128xi32, #tpu.memory_space<vmem>>, vector<16xi32>,
        %add3A_141 = arith.constant 32 : i32
        %add3A_142 = arith.addi %mul3A_123, %add3A_141 : i32
        %get3A_143 = arith.index_cast %add3A_142 : i32 to index
        %get3A_144 = tpu.vector_load %arg13[%get3A_143] {strides = array<i32>} : memref<4096xi32, #tpu.memory_space<vmem>>, vector<16xi32>,
        %get3A_145 = vector.shape_cast %get3A_144 : vector<16xi32> to vector<16xi32>
        %swap3A_146 = arith.constant 32 : index
        %swap3A_147 = tpu.vector_load %arg14[%swap3A_146] {strides = array<i32>} : memref<128xi32, #tpu.memory_space<vmem>>, vector<16xi32>,
        %swap3A_148 = vector.shape_cast %swap3A_147 : vector<16xi32> to vector<16xi32>
        %swap3A_149 = vector.shape_cast %get3A_145 : vector<16xi32> to vector<16xi32>
        tpu.vector_store %arg14[%swap3A_146], %swap3A_149 {strides = array<i32>} : memref<128xi32, #tpu.memory_space<vmem>>, vector<16xi32>,
        %add3A_150 = arith.constant 48 : i32
        %add3A_151 = arith.addi %mul3A_123, %add3A_150 : i32
        %get3A_152 = arith.index_cast %add3A_151 : i32 to index
        %get3A_153 = tpu.vector_load %arg13[%get3A_152] {strides = array<i32>} : memref<4096xi32, #tpu.memory_space<vmem>>, vector<16xi32>,
        %get3A_154 = vector.shape_cast %get3A_153 : vector<16xi32> to vector<16xi32>
        %swap3A_155 = arith.constant 48 : index
        %swap3A_156 = tpu.vector_load %arg14[%swap3A_155] {strides = array<i32>} : memref<128xi32, #tpu.memory_space<vmem>>, vector<16xi32>,
        %swap3A_157 = vector.shape_cast %swap3A_156 : vector<16xi32> to vector<16xi32>
        %swap3A_158 = vector.shape_cast %get3A_154 : vector<16xi32> to vector<16xi32>
        tpu.vector_store %arg14[%swap3A_155], %swap3A_158 {strides = array<i32>} : memref<128xi32, #tpu.memory_space<vmem>>, vector<16xi32>,
        %add3A_159 = arith.constant 64 : i32
        %add3A_160 = arith.addi %mul3A_123, %add3A_159 : i32
        %get3A_161 = arith.index_cast %add3A_160 : i32 to index
        %get3A_162 = tpu.vector_load %arg13[%get3A_161] {strides = array<i32>} : memref<4096xi32, #tpu.memory_space<vmem>>, vector<16xi32>,
        %get3A_163 = vector.shape_cast %get3A_162 : vector<16xi32> to vector<16xi32>
        %swap3A_164 = arith.constant 64 : index
        %swap3A_165 = tpu.vector_load %arg14[%swap3A_164] {strides = array<i32>} : memref<128xi32, #tpu.memory_space<vmem>>, vector<16xi32>,
        %swap3A_166 = vector.shape_cast %swap3A_165 : vector<16xi32> to vector<16xi32>
        %swap3A_167 = vector.shape_cast %get3A_163 : vector<16xi32> to vector<16xi32>
        tpu.vector_store %arg14[%swap3A_164], %swap3A_167 {strides = array<i32>} : memref<128xi32, #tpu.memory_space<vmem>>, vector<16xi32>,
        %add3A_168 = arith.constant 80 : i32
        %add3A_169 = arith.addi %mul3A_123, %add3A_168 : i32
        %get3A_170 = arith.index_cast %add3A_169 : i32 to index
        %get3A_171 = tpu.vector_load %arg13[%get3A_170] {strides = array<i32>} : memref<4096xi32, #tpu.memory_space<vmem>>, vector<16xi32>,
        %get3A_172 = vector.shape_cast %get3A_171 : vector<16xi32> to vector<16xi32>
        %swap3A_173 = arith.constant 80 : index
        %swap3A_174 = tpu.vector_load %arg14[%swap3A_173] {strides = array<i32>} : memref<128xi32, #tpu.memory_space<vmem>>, vector<16xi32>,
        %swap3A_175 = vector.shape_cast %swap3A_174 : vector<16xi32> to vector<16xi32>
        %swap3A_176 = vector.shape_cast %get3A_172 : vector<16xi32> to vector<16xi32>
        tpu.vector_store %arg14[%swap3A_173], %swap3A_176 {strides = array<i32>} : memref<128xi32, #tpu.memory_space<vmem>>, vector<16xi32>,
        %add3A_177 = arith.constant 96 : i32
        %add3A_178 = arith.addi %mul3A_123, %add3A_177 : i32
        %get3A_179 = arith.index_cast %add3A_178 : i32 to index
        %get3A_180 = tpu.vector_load %arg13[%get3A_179] {strides = array<i32>} : memref<4096xi32, #tpu.memory_space<vmem>>, vector<16xi32>,
        %get3A_181 = vector.shape_cast %get3A_180 : vector<16xi32> to vector<16xi32>
        %swap3A_182 = arith.constant 96 : index
        %swap3A_183 = tpu.vector_load %arg14[%swap3A_182] {strides = array<i32>} : memref<128xi32, #tpu.memory_space<vmem>>, vector<16xi32>,
        %swap3A_184 = vector.shape_cast %swap3A_183 : vector<16xi32> to vector<16xi32>
        %swap3A_185 = vector.shape_cast %get3A_181 : vector<16xi32> to vector<16xi32>
        tpu.vector_store %arg14[%swap3A_182], %swap3A_185 {strides = array<i32>} : memref<128xi32, #tpu.memory_space<vmem>>, vector<16xi32>,
        %add3A_186 = arith.constant 112 : i32
        %add3A_187 = arith.addi %mul3A_123, %add3A_186 : i32
        %get3A_188 = arith.index_cast %add3A_187 : i32 to index
        %get3A_189 = tpu.vector_load %arg13[%get3A_188] {strides = array<i32>} : memref<4096xi32, #tpu.memory_space<vmem>>, vector<16xi32>,
        %get3A_190 = vector.shape_cast %get3A_189 : vector<16xi32> to vector<16xi32>
        %swap3A_191 = arith.constant 112 : index
        %swap3A_192 = tpu.vector_load %arg14[%swap3A_191] {strides = array<i32>} : memref<128xi32, #tpu.memory_space<vmem>>, vector<16xi32>,
        %swap3A_193 = vector.shape_cast %swap3A_192 : vector<16xi32> to vector<16xi32>
        %swap3A_194 = vector.shape_cast %get3A_190 : vector<16xi32> to vector<16xi32>
        tpu.vector_store %arg14[%swap3A_191], %swap3A_194 {strides = array<i32>} : memref<128xi32, #tpu.memory_space<vmem>>, vector<16xi32>,
        "tpu.region"() ({
          %run_scoped3A = tpu.sem_alloc : memref<!tpu.dma_semaphore, #tpu.memory_space<semaphore_mem>>
          %dma_start3A = arith.constant 0 : i32
          %dma_start3A_330 = arith.constant 0 : i32
          %dma_start3A_331 = tpu.memref_slice %arg11[%dma_start3A, %dma_start3A_330] : memref<10240x128xf32, #tpu.memory_space<vmem_shared>> -> memref<10240x128xf32, #tpu.memory_space<vmem_shared>>
          tpu.enqueue_indirect_dma source(%arg15 : memref<128x128xf32, #tpu.memory_space<vmem>>) target(%dma_start3A_331 : memref<10240x128xf32, #tpu.memory_space<vmem_shared>>) offsets(%arg14 : memref<128xi32, #tpu.memory_space<vmem>>) semaphore(%run_scoped3A : memref<!tpu.dma_semaphore, #tpu.memory_space<semaphore_mem>>) {add = true}
          %dma_wait3A_332 = arith.constant 0 : i32
          %dma_wait3A_333 = arith.constant 0 : i32
          %dma_wait3A_334 = tpu.memref_slice %arg11[%dma_wait3A_332, %dma_wait3A_333] : memref<10240x128xf32, #tpu.memory_space<vmem_shared>> -> memref<10240x128xf32, #tpu.memory_space<vmem_shared>>
          tpu.wait_indirect_dma semaphore(%run_scoped3A : memref<!tpu.dma_semaphore, #tpu.memory_space<semaphore_mem>>) src(%arg15 : memref<128x128xf32, #tpu.memory_space<vmem>>) dst(%dma_wait3A_334 : memref<10240x128xf32, #tpu.memory_space<vmem_shared>>)
          tpu.yield
        }) : () -> ()
        %eq3A_195 = arith.constant 0 : i32
        %eq3A_196 = arith.cmpi eq, %arg0, %eq3A_195 : i32
        %lt3A_197 = arith.constant 80 : i32
        %lt3A_198 = arith.cmpi slt, %add3A_110, %lt3A_197 : i32
        %ge3A_199 = arith.constant 80 : i32
        %ge3A_200 = arith.cmpi sge, %add3A_110, %ge3A_199 : i32
        %select_n3A_201 = arith.select %eq3A_196, %lt3A_198, %ge3A_200 : i1
        %convert_element_type3A_202 = arith.extui %select_n3A_201 : i1 to i32
        %cond3A_203 = arith.constant 0 : i32
        %cond3A_204 = arith.cmpi ne, %convert_element_type3A_202, %cond3A_203 : i32
        scf.if %cond3A_204 {
          %dma_start3A = arith.constant 0 : i32
          %dma_start3A_330 = tpu.memref_slice %arg19[%dma_start3A] : memref<10240xf32, #tpu.memory_space<vmem_shared>> -> memref<10240xf32, #tpu.memory_space<vmem_shared>>
          tpu.enqueue_indirect_dma source(%arg20 : memref<128xf32, #tpu.memory_space<vmem>>) target(%dma_start3A_330 : memref<10240xf32, #tpu.memory_space<vmem_shared>>) offsets(%arg14 : memref<128xi32, #tpu.memory_space<vmem>>) semaphore(%arg21 : memref<!tpu.dma_semaphore, #tpu.memory_space<semaphore_mem>>) {add = true}
        } else {
        }
        %add3A_205 = arith.constant 2 : i32
        %add3A_206 = arith.addi %mul3A_103, %add3A_205 : i32
        %lt3A_207 = arith.constant 32 : i32
        %lt3A_208 = arith.cmpi slt, %add3A_206, %lt3A_207 : i32
        %convert_element_type3A_209 = arith.extui %lt3A_208 : i1 to i32
        %cond3A_210 = arith.constant 0 : i32
        %cond3A_211 = arith.cmpi ne, %convert_element_type3A_209, %cond3A_210 : i32
        scf.if %cond3A_211 {
          %add3A_330 = arith.constant 2 : i32
          %add3A_331 = arith.addi %mul3A_103, %add3A_330 : i32
          %mul3A_332 = arith.constant 128 : i32
          %mul3A_333 = arith.muli %add3A_331, %mul3A_332 : i32
          %eq3A_334 = arith.constant 0 : i32
          %eq3A_335 = arith.cmpi eq, %arg0, %eq3A_334 : i32
          %convert_element_type3A_336 = arith.extui %eq3A_335 : i1 to i32
          %cond3A_337 = arith.constant 0 : i32
          %cond3A_338 = arith.cmpi ne, %convert_element_type3A_336, %cond3A_337 : i32
          scf.if %cond3A_338 {
            %dma_start3A = tpu.memref_slice %arg12[%mul3A_333] : memref<4096xi32, #tpu.memory_space<vmem>> -> memref<128xi32, #tpu.memory_space<vmem>>
            %dma_start3A_344 = arith.constant 0 : i32
            %dma_start3A_345 = arith.constant 0 : i32
            %dma_start3A_346 = tpu.memref_slice %arg2[%dma_start3A_344, %dma_start3A_345] : memref<10240x128xf32, #tpu.memory_space<hbm>> -> memref<10240x128xf32, #tpu.memory_space<hbm>>
            tpu.enqueue_indirect_dma source(%dma_start3A_346 : memref<10240x128xf32, #tpu.memory_space<hbm>>) target(%arg15 : memref<128x128xf32, #tpu.memory_space<vmem>>) offsets(%dma_start3A : memref<128xi32, #tpu.memory_space<vmem>>) semaphore(%arg17 : memref<!tpu.dma_semaphore, #tpu.memory_space<semaphore_mem>>)
          } else {
          }
          %eq3A_339 = arith.constant 1 : i32
          %eq3A_340 = arith.cmpi eq, %arg0, %eq3A_339 : i32
          %convert_element_type3A_341 = arith.extui %eq3A_340 : i1 to i32
          %cond3A_342 = arith.constant 0 : i32
          %cond3A_343 = arith.cmpi ne, %convert_element_type3A_341, %cond3A_342 : i32
          scf.if %cond3A_343 {
            %dma_start3A = tpu.memref_slice %arg12[%mul3A_333] : memref<4096xi32, #tpu.memory_space<vmem>> -> memref<128xi32, #tpu.memory_space<vmem>>
            %dma_start3A_344 = arith.constant 0 : i32
            %dma_start3A_345 = arith.constant 0 : i32
            %dma_start3A_346 = tpu.memref_slice %arg3[%dma_start3A_344, %dma_start3A_345] : memref<10240x128xf32, #tpu.memory_space<hbm>> -> memref<10240x128xf32, #tpu.memory_space<hbm>>
            tpu.enqueue_indirect_dma source(%dma_start3A_346 : memref<10240x128xf32, #tpu.memory_space<hbm>>) target(%arg15 : memref<128x128xf32, #tpu.memory_space<vmem>>) offsets(%dma_start3A : memref<128xi32, #tpu.memory_space<vmem>>) semaphore(%arg17 : memref<!tpu.dma_semaphore, #tpu.memory_space<semaphore_mem>>)
          } else {
          }
        } else {
        }
        %dma_wait3A_212 = arith.constant 0 : i32
        %dma_wait3A_213 = tpu.memref_slice %arg12[%dma_wait3A_212] : memref<4096xi32, #tpu.memory_space<vmem>> -> memref<128xi32, #tpu.memory_space<vmem>>
        %dma_wait3A_214 = arith.constant 0 : i32
        %dma_wait3A_215 = arith.constant 0 : i32
        %dma_wait3A_216 = tpu.memref_slice %arg2[%dma_wait3A_214, %dma_wait3A_215] : memref<10240x128xf32, #tpu.memory_space<hbm>> -> memref<10240x128xf32, #tpu.memory_space<hbm>>
        tpu.wait_indirect_dma semaphore(%arg18 : memref<!tpu.dma_semaphore, #tpu.memory_space<semaphore_mem>>) src(%dma_wait3A_216 : memref<10240x128xf32, #tpu.memory_space<hbm>>) dst(%arg16 : memref<128x128xf32, #tpu.memory_space<vmem>>)
        %add3A_217 = arith.constant 1 : i32
        %add3A_218 = arith.addi %mul3A_103, %add3A_217 : i32
        %mul3A_219 = arith.constant 32 : i32
        %mul3A_220 = arith.muli %scan3A_71, %mul3A_219 : i32
        %add3A_221 = arith.addi %mul3A_220, %mul3A_103 : i32
        %add3A_222 = arith.constant 1 : i32
        %add3A_223 = arith.addi %add3A_221, %add3A_222 : i32
        %ge3A_224 = arith.constant 1 : i32
        %ge3A_225 = arith.cmpi sge, %add3A_223, %ge3A_224 : i32
        %sub3A_226 = arith.constant 1 : i32
        %sub3A_227 = arith.subi %add3A_223, %sub3A_226 : i32
        %eq3A_228 = arith.constant 0 : i32
        %eq3A_229 = arith.cmpi eq, %arg0, %eq3A_228 : i32
        %lt3A_230 = arith.constant 80 : i32
        %lt3A_231 = arith.cmpi slt, %sub3A_227, %lt3A_230 : i32
        %ge3A_232 = arith.constant 80 : i32
        %ge3A_233 = arith.cmpi sge, %sub3A_227, %ge3A_232 : i32
        %select_n3A_234 = arith.select %eq3A_229, %lt3A_231, %ge3A_233 : i1
        %and3A_235 = arith.andi %ge3A_225, %select_n3A_234 : i1
        %convert_element_type3A_236 = arith.extui %and3A_235 : i1 to i32
        %cond3A_237 = arith.constant 0 : i32
        %cond3A_238 = arith.cmpi ne, %convert_element_type3A_236, %cond3A_237 : i32
        scf.if %cond3A_238 {
          %dma_wait3A_330 = arith.constant 0 : i32
          %dma_wait3A_331 = tpu.memref_slice %arg19[%dma_wait3A_330] : memref<10240xf32, #tpu.memory_space<vmem_shared>> -> memref<10240xf32, #tpu.memory_space<vmem_shared>>
          tpu.wait_indirect_dma semaphore(%arg21 : memref<!tpu.dma_semaphore, #tpu.memory_space<semaphore_mem>>) src(%arg20 : memref<128xf32, #tpu.memory_space<vmem>>) dst(%dma_wait3A_331 : memref<10240xf32, #tpu.memory_space<vmem_shared>>)
        } else {
        }
        %mul3A_239 = arith.constant 128 : i32
        %mul3A_240 = arith.muli %add3A_218, %mul3A_239 : i32
        %add3A_241 = arith.constant 0 : i32
        %add3A_242 = arith.addi %mul3A_240, %add3A_241 : i32
        %get3A_243 = arith.index_cast %add3A_242 : i32 to index
        %get3A_244 = tpu.vector_load %arg13[%get3A_243] {strides = array<i32>} : memref<4096xi32, #tpu.memory_space<vmem>>, vector<16xi32>,
        %get3A_245 = vector.shape_cast %get3A_244 : vector<16xi32> to vector<16xi32>
        %swap3A_246 = arith.constant 0 : index
        %swap3A_247 = tpu.vector_load %arg14[%swap3A_246] {strides = array<i32>} : memref<128xi32, #tpu.memory_space<vmem>>, vector<16xi32>,
        %swap3A_248 = vector.shape_cast %swap3A_247 : vector<16xi32> to vector<16xi32>
        %swap3A_249 = vector.shape_cast %get3A_245 : vector<16xi32> to vector<16xi32>
        tpu.vector_store %arg14[%swap3A_246], %swap3A_249 {strides = array<i32>} : memref<128xi32, #tpu.memory_space<vmem>>, vector<16xi32>,
        %add3A_250 = arith.constant 16 : i32
        %add3A_251 = arith.addi %mul3A_240, %add3A_250 : i32
        %get3A_252 = arith.index_cast %add3A_251 : i32 to index
        %get3A_253 = tpu.vector_load %arg13[%get3A_252] {strides = array<i32>} : memref<4096xi32, #tpu.memory_space<vmem>>, vector<16xi32>,
        %get3A_254 = vector.shape_cast %get3A_253 : vector<16xi32> to vector<16xi32>
        %swap3A_255 = arith.constant 16 : index
        %swap3A_256 = tpu.vector_load %arg14[%swap3A_255] {strides = array<i32>} : memref<128xi32, #tpu.memory_space<vmem>>, vector<16xi32>,
        %swap3A_257 = vector.shape_cast %swap3A_256 : vector<16xi32> to vector<16xi32>
        %swap3A_258 = vector.shape_cast %get3A_254 : vector<16xi32> to vector<16xi32>
        tpu.vector_store %arg14[%swap3A_255], %swap3A_258 {strides = array<i32>} : memref<128xi32, #tpu.memory_space<vmem>>, vector<16xi32>,
        %add3A_259 = arith.constant 32 : i32
        %add3A_260 = arith.addi %mul3A_240, %add3A_259 : i32
        %get3A_261 = arith.index_cast %add3A_260 : i32 to index
        %get3A_262 = tpu.vector_load %arg13[%get3A_261] {strides = array<i32>} : memref<4096xi32, #tpu.memory_space<vmem>>, vector<16xi32>,
        %get3A_263 = vector.shape_cast %get3A_262 : vector<16xi32> to vector<16xi32>
        %swap3A_264 = arith.constant 32 : index
        %swap3A_265 = tpu.vector_load %arg14[%swap3A_264] {strides = array<i32>} : memref<128xi32, #tpu.memory_space<vmem>>, vector<16xi32>,
        %swap3A_266 = vector.shape_cast %swap3A_265 : vector<16xi32> to vector<16xi32>
        %swap3A_267 = vector.shape_cast %get3A_263 : vector<16xi32> to vector<16xi32>
        tpu.vector_store %arg14[%swap3A_264], %swap3A_267 {strides = array<i32>} : memref<128xi32, #tpu.memory_space<vmem>>, vector<16xi32>,
        %add3A_268 = arith.constant 48 : i32
        %add3A_269 = arith.addi %mul3A_240, %add3A_268 : i32
        %get3A_270 = arith.index_cast %add3A_269 : i32 to index
        %get3A_271 = tpu.vector_load %arg13[%get3A_270] {strides = array<i32>} : memref<4096xi32, #tpu.memory_space<vmem>>, vector<16xi32>,
        %get3A_272 = vector.shape_cast %get3A_271 : vector<16xi32> to vector<16xi32>
        %swap3A_273 = arith.constant 48 : index
        %swap3A_274 = tpu.vector_load %arg14[%swap3A_273] {strides = array<i32>} : memref<128xi32, #tpu.memory_space<vmem>>, vector<16xi32>,
        %swap3A_275 = vector.shape_cast %swap3A_274 : vector<16xi32> to vector<16xi32>
        %swap3A_276 = vector.shape_cast %get3A_272 : vector<16xi32> to vector<16xi32>
        tpu.vector_store %arg14[%swap3A_273], %swap3A_276 {strides = array<i32>} : memref<128xi32, #tpu.memory_space<vmem>>, vector<16xi32>,
        %add3A_277 = arith.constant 64 : i32
        %add3A_278 = arith.addi %mul3A_240, %add3A_277 : i32
        %get3A_279 = arith.index_cast %add3A_278 : i32 to index
        %get3A_280 = tpu.vector_load %arg13[%get3A_279] {strides = array<i32>} : memref<4096xi32, #tpu.memory_space<vmem>>, vector<16xi32>,
        %get3A_281 = vector.shape_cast %get3A_280 : vector<16xi32> to vector<16xi32>
        %swap3A_282 = arith.constant 64 : index
        %swap3A_283 = tpu.vector_load %arg14[%swap3A_282] {strides = array<i32>} : memref<128xi32, #tpu.memory_space<vmem>>, vector<16xi32>,
        %swap3A_284 = vector.shape_cast %swap3A_283 : vector<16xi32> to vector<16xi32>
        %swap3A_285 = vector.shape_cast %get3A_281 : vector<16xi32> to vector<16xi32>
        tpu.vector_store %arg14[%swap3A_282], %swap3A_285 {strides = array<i32>} : memref<128xi32, #tpu.memory_space<vmem>>, vector<16xi32>,
        %add3A_286 = arith.constant 80 : i32
        %add3A_287 = arith.addi %mul3A_240, %add3A_286 : i32
        %get3A_288 = arith.index_cast %add3A_287 : i32 to index
        %get3A_289 = tpu.vector_load %arg13[%get3A_288] {strides = array<i32>} : memref<4096xi32, #tpu.memory_space<vmem>>, vector<16xi32>,
        %get3A_290 = vector.shape_cast %get3A_289 : vector<16xi32> to vector<16xi32>
        %swap3A_291 = arith.constant 80 : index
        %swap3A_292 = tpu.vector_load %arg14[%swap3A_291] {strides = array<i32>} : memref<128xi32, #tpu.memory_space<vmem>>, vector<16xi32>,
        %swap3A_293 = vector.shape_cast %swap3A_292 : vector<16xi32> to vector<16xi32>
        %swap3A_294 = vector.shape_cast %get3A_290 : vector<16xi32> to vector<16xi32>
        tpu.vector_store %arg14[%swap3A_291], %swap3A_294 {strides = array<i32>} : memref<128xi32, #tpu.memory_space<vmem>>, vector<16xi32>,
        %add3A_295 = arith.constant 96 : i32
        %add3A_296 = arith.addi %mul3A_240, %add3A_295 : i32
        %get3A_297 = arith.index_cast %add3A_296 : i32 to index
        %get3A_298 = tpu.vector_load %arg13[%get3A_297] {strides = array<i32>} : memref<4096xi32, #tpu.memory_space<vmem>>, vector<16xi32>,
        %get3A_299 = vector.shape_cast %get3A_298 : vector<16xi32> to vector<16xi32>
        %swap3A_300 = arith.constant 96 : index
        %swap3A_301 = tpu.vector_load %arg14[%swap3A_300] {strides = array<i32>} : memref<128xi32, #tpu.memory_space<vmem>>, vector<16xi32>,
        %swap3A_302 = vector.shape_cast %swap3A_301 : vector<16xi32> to vector<16xi32>
        %swap3A_303 = vector.shape_cast %get3A_299 : vector<16xi32> to vector<16xi32>
        tpu.vector_store %arg14[%swap3A_300], %swap3A_303 {strides = array<i32>} : memref<128xi32, #tpu.memory_space<vmem>>, vector<16xi32>,
        %add3A_304 = arith.constant 112 : i32
        %add3A_305 = arith.addi %mul3A_240, %add3A_304 : i32
        %get3A_306 = arith.index_cast %add3A_305 : i32 to index
        %get3A_307 = tpu.vector_load %arg13[%get3A_306] {strides = array<i32>} : memref<4096xi32, #tpu.memory_space<vmem>>, vector<16xi32>,
        %get3A_308 = vector.shape_cast %get3A_307 : vector<16xi32> to vector<16xi32>
        %swap3A_309 = arith.constant 112 : index
        %swap3A_310 = tpu.vector_load %arg14[%swap3A_309] {strides = array<i32>} : memref<128xi32, #tpu.memory_space<vmem>>, vector<16xi32>,
        %swap3A_311 = vector.shape_cast %swap3A_310 : vector<16xi32> to vector<16xi32>
        %swap3A_312 = vector.shape_cast %get3A_308 : vector<16xi32> to vector<16xi32>
        tpu.vector_store %arg14[%swap3A_309], %swap3A_312 {strides = array<i32>} : memref<128xi32, #tpu.memory_space<vmem>>, vector<16xi32>,
        "tpu.region"() ({
          %run_scoped3A = tpu.sem_alloc : memref<!tpu.dma_semaphore, #tpu.memory_space<semaphore_mem>>
          %dma_start3A = arith.constant 0 : i32
          %dma_start3A_330 = arith.constant 0 : i32
          %dma_start3A_331 = tpu.memref_slice %arg11[%dma_start3A, %dma_start3A_330] : memref<10240x128xf32, #tpu.memory_space<vmem_shared>> -> memref<10240x128xf32, #tpu.memory_space<vmem_shared>>
          tpu.enqueue_indirect_dma source(%arg16 : memref<128x128xf32, #tpu.memory_space<vmem>>) target(%dma_start3A_331 : memref<10240x128xf32, #tpu.memory_space<vmem_shared>>) offsets(%arg14 : memref<128xi32, #tpu.memory_space<vmem>>) semaphore(%run_scoped3A : memref<!tpu.dma_semaphore, #tpu.memory_space<semaphore_mem>>) {add = true}
          %dma_wait3A_332 = arith.constant 0 : i32
          %dma_wait3A_333 = arith.constant 0 : i32
          %dma_wait3A_334 = tpu.memref_slice %arg11[%dma_wait3A_332, %dma_wait3A_333] : memref<10240x128xf32, #tpu.memory_space<vmem_shared>> -> memref<10240x128xf32, #tpu.memory_space<vmem_shared>>
          tpu.wait_indirect_dma semaphore(%run_scoped3A : memref<!tpu.dma_semaphore, #tpu.memory_space<semaphore_mem>>) src(%arg16 : memref<128x128xf32, #tpu.memory_space<vmem>>) dst(%dma_wait3A_334 : memref<10240x128xf32, #tpu.memory_space<vmem_shared>>)
          tpu.yield
        }) : () -> ()
        %eq3A_313 = arith.constant 0 : i32
        %eq3A_314 = arith.cmpi eq, %arg0, %eq3A_313 : i32
        %lt3A_315 = arith.constant 80 : i32
        %lt3A_316 = arith.cmpi slt, %add3A_223, %lt3A_315 : i32
        %ge3A_317 = arith.constant 80 : i32
        %ge3A_318 = arith.cmpi sge, %add3A_223, %ge3A_317 : i32
        %select_n3A_319 = arith.select %eq3A_314, %lt3A_316, %ge3A_318 : i1
        %convert_element_type3A_320 = arith.extui %select_n3A_319 : i1 to i32
        %cond3A_321 = arith.constant 0 : i32
        %cond3A_322 = arith.cmpi ne, %convert_element_type3A_320, %cond3A_321 : i32
        scf.if %cond3A_322 {
          %dma_start3A = arith.constant 0 : i32
          %dma_start3A_330 = tpu.memref_slice %arg19[%dma_start3A] : memref<10240xf32, #tpu.memory_space<vmem_shared>> -> memref<10240xf32, #tpu.memory_space<vmem_shared>>
          tpu.enqueue_indirect_dma source(%arg20 : memref<128xf32, #tpu.memory_space<vmem>>) target(%dma_start3A_330 : memref<10240xf32, #tpu.memory_space<vmem_shared>>) offsets(%arg14 : memref<128xi32, #tpu.memory_space<vmem>>) semaphore(%arg21 : memref<!tpu.dma_semaphore, #tpu.memory_space<semaphore_mem>>) {add = true}
        } else {
        }
        %add3A_323 = arith.constant 3 : i32
        %add3A_324 = arith.addi %mul3A_103, %add3A_323 : i32
        %lt3A_325 = arith.constant 32 : i32
        %lt3A_326 = arith.cmpi slt, %add3A_324, %lt3A_325 : i32
        %convert_element_type3A_327 = arith.extui %lt3A_326 : i1 to i32
        %cond3A_328 = arith.constant 0 : i32
        %cond3A_329 = arith.cmpi ne, %convert_element_type3A_327, %cond3A_328 : i32
        scf.if %cond3A_329 {
          %add3A_330 = arith.constant 3 : i32
          %add3A_331 = arith.addi %mul3A_103, %add3A_330 : i32
          %mul3A_332 = arith.constant 128 : i32
          %mul3A_333 = arith.muli %add3A_331, %mul3A_332 : i32
          %eq3A_334 = arith.constant 0 : i32
          %eq3A_335 = arith.cmpi eq, %arg0, %eq3A_334 : i32
          %convert_element_type3A_336 = arith.extui %eq3A_335 : i1 to i32
          %cond3A_337 = arith.constant 0 : i32
          %cond3A_338 = arith.cmpi ne, %convert_element_type3A_336, %cond3A_337 : i32
          scf.if %cond3A_338 {
            %dma_start3A = tpu.memref_slice %arg12[%mul3A_333] : memref<4096xi32, #tpu.memory_space<vmem>> -> memref<128xi32, #tpu.memory_space<vmem>>
            %dma_start3A_344 = arith.constant 0 : i32
            %dma_start3A_345 = arith.constant 0 : i32
            %dma_start3A_346 = tpu.memref_slice %arg2[%dma_start3A_344, %dma_start3A_345] : memref<10240x128xf32, #tpu.memory_space<hbm>> -> memref<10240x128xf32, #tpu.memory_space<hbm>>
            tpu.enqueue_indirect_dma source(%dma_start3A_346 : memref<10240x128xf32, #tpu.memory_space<hbm>>) target(%arg16 : memref<128x128xf32, #tpu.memory_space<vmem>>) offsets(%dma_start3A : memref<128xi32, #tpu.memory_space<vmem>>) semaphore(%arg18 : memref<!tpu.dma_semaphore, #tpu.memory_space<semaphore_mem>>)
          } else {
          }
          %eq3A_339 = arith.constant 1 : i32
          %eq3A_340 = arith.cmpi eq, %arg0, %eq3A_339 : i32
          %convert_element_type3A_341 = arith.extui %eq3A_340 : i1 to i32
          %cond3A_342 = arith.constant 0 : i32
          %cond3A_343 = arith.cmpi ne, %convert_element_type3A_341, %cond3A_342 : i32
          scf.if %cond3A_343 {
            %dma_start3A = tpu.memref_slice %arg12[%mul3A_333] : memref<4096xi32, #tpu.memory_space<vmem>> -> memref<128xi32, #tpu.memory_space<vmem>>
            %dma_start3A_344 = arith.constant 0 : i32
            %dma_start3A_345 = arith.constant 0 : i32
            %dma_start3A_346 = tpu.memref_slice %arg3[%dma_start3A_344, %dma_start3A_345] : memref<10240x128xf32, #tpu.memory_space<hbm>> -> memref<10240x128xf32, #tpu.memory_space<hbm>>
            tpu.enqueue_indirect_dma source(%dma_start3A_346 : memref<10240x128xf32, #tpu.memory_space<hbm>>) target(%arg16 : memref<128x128xf32, #tpu.memory_space<vmem>>) offsets(%dma_start3A : memref<128xi32, #tpu.memory_space<vmem>>) semaphore(%arg18 : memref<!tpu.dma_semaphore, #tpu.memory_space<semaphore_mem>>)
          } else {
          }
        } else {
        }
      }
      %scan3A_100 = arith.constant 16 : i32
    }
    %scan3A_53 = arith.constant 5 : i32
    %eq3A = arith.constant 0 : i32
    %eq3A_54 = arith.cmpi eq, %arg0, %eq3A : i32
    %select_n3A = arith.constant true
    %select_n3A_55 = arith.constant false
    %select_n3A_56 = arith.select %eq3A_54, %select_n3A_55, %select_n3A : i1
    %convert_element_type3A = arith.extui %select_n3A_56 : i1 to i32
    %cond3A = arith.constant 0 : i32
    %cond3A_57 = arith.cmpi ne, %convert_element_type3A, %cond3A : i32
    scf.if %cond3A_57 {
      %dma_wait3A = arith.constant 0 : i32
      %dma_wait3A_71 = tpu.memref_slice %arg19[%dma_wait3A] : memref<10240xf32, #tpu.memory_space<vmem_shared>> -> memref<10240xf32, #tpu.memory_space<vmem_shared>>
      tpu.wait_indirect_dma semaphore(%arg21 : memref<!tpu.dma_semaphore, #tpu.memory_space<semaphore_mem>>) src(%arg20 : memref<128xf32, #tpu.memory_space<vmem>>) dst(%dma_wait3A_71 : memref<10240xf32, #tpu.memory_space<vmem_shared>>)
    } else {
    }
    %barrier3A_58 = arith.constant 0 : index
    tpu.barrier barrier_id(%barrier3A_58)
    %eq3A_59 = arith.constant 0 : i32
    %eq3A_60 = arith.cmpi eq, %arg0, %eq3A_59 : i32
    %convert_element_type3A_61 = arith.extui %eq3A_60 : i1 to i32
    %cond3A_62 = arith.constant 0 : i32
    %cond3A_63 = arith.cmpi ne, %convert_element_type3A_61, %cond3A_62 : i32
    scf.if %cond3A_63 {
      "tpu.region"() ({
        %run_scoped3A = tpu.sem_alloc : memref<!tpu.dma_semaphore, #tpu.memory_space<semaphore_mem>>
        %dma_start3A = arith.constant 0 : i32
        %dma_start3A_71 = tpu.memref_slice %arg8[%mul3A_0, %dma_start3A] : memref<10240x128xf32, #tpu.memory_space<hbm>> -> memref<640x128xf32, #tpu.memory_space<hbm>>
        %dma_start3A_72 = arith.constant 0 : i32
        %dma_start3A_73 = tpu.memref_slice %arg11[%mul3A_0, %dma_start3A_72] : memref<10240x128xf32, #tpu.memory_space<vmem_shared>> -> memref<640x128xf32, #tpu.memory_space<vmem_shared>>
        tpu.enqueue_dma source(%dma_start3A_73 : memref<640x128xf32, #tpu.memory_space<vmem_shared>>) target(%dma_start3A_71 : memref<640x128xf32, #tpu.memory_space<hbm>>) target_semaphore(%run_scoped3A : memref<!tpu.dma_semaphore, #tpu.memory_space<semaphore_mem>>)
        %dma_wait3A = arith.constant 0 : i32
        %dma_wait3A_74 = tpu.memref_slice %arg8[%mul3A_0, %dma_wait3A] : memref<10240x128xf32, #tpu.memory_space<hbm>> -> memref<640x128xf32, #tpu.memory_space<hbm>>
        %dma_wait3A_75 = arith.constant 0 : i32
        %dma_wait3A_76 = tpu.memref_slice %arg11[%mul3A_0, %dma_wait3A_75] : memref<10240x128xf32, #tpu.memory_space<vmem_shared>> -> memref<640x128xf32, #tpu.memory_space<vmem_shared>>
        tpu.wait_dma2 semaphore(%run_scoped3A : memref<!tpu.dma_semaphore, #tpu.memory_space<semaphore_mem>>) src(%dma_wait3A_76 : memref<640x128xf32, #tpu.memory_space<vmem_shared>>) dst(%dma_wait3A_74 : memref<640x128xf32, #tpu.memory_space<hbm>>)
        tpu.yield
      }) : () -> ()
    } else {
    }
    %eq3A_64 = arith.constant 1 : i32
    %eq3A_65 = arith.cmpi eq, %arg0, %eq3A_64 : i32
    %convert_element_type3A_66 = arith.extui %eq3A_65 : i1 to i32
    %cond3A_67 = arith.constant 0 : i32
    %cond3A_68 = arith.cmpi ne, %convert_element_type3A_66, %cond3A_67 : i32
    scf.if %cond3A_68 {
      "tpu.region"() ({
        %run_scoped3A = tpu.sem_alloc : memref<!tpu.dma_semaphore, #tpu.memory_space<semaphore_mem>>
        %dma_start3A = arith.constant 0 : i32
        %dma_start3A_71 = tpu.memref_slice %arg9[%mul3A_0, %dma_start3A] : memref<10240x128xf32, #tpu.memory_space<hbm>> -> memref<640x128xf32, #tpu.memory_space<hbm>>
        %dma_start3A_72 = arith.constant 0 : i32
        %dma_start3A_73 = tpu.memref_slice %arg11[%mul3A_0, %dma_start3A_72] : memref<10240x128xf32, #tpu.memory_space<vmem_shared>> -> memref<640x128xf32, #tpu.memory_space<vmem_shared>>
        tpu.enqueue_dma source(%dma_start3A_73 : memref<640x128xf32, #tpu.memory_space<vmem_shared>>) target(%dma_start3A_71 : memref<640x128xf32, #tpu.memory_space<hbm>>) target_semaphore(%run_scoped3A : memref<!tpu.dma_semaphore, #tpu.memory_space<semaphore_mem>>)
        %dma_wait3A = arith.constant 0 : i32
        %dma_wait3A_74 = tpu.memref_slice %arg9[%mul3A_0, %dma_wait3A] : memref<10240x128xf32, #tpu.memory_space<hbm>> -> memref<640x128xf32, #tpu.memory_space<hbm>>
        %dma_wait3A_75 = arith.constant 0 : i32
        %dma_wait3A_76 = tpu.memref_slice %arg11[%mul3A_0, %dma_wait3A_75] : memref<10240x128xf32, #tpu.memory_space<vmem_shared>> -> memref<640x128xf32, #tpu.memory_space<vmem_shared>>
        tpu.wait_dma2 semaphore(%run_scoped3A : memref<!tpu.dma_semaphore, #tpu.memory_space<semaphore_mem>>) src(%dma_wait3A_76 : memref<640x128xf32, #tpu.memory_space<vmem_shared>>) dst(%dma_wait3A_74 : memref<640x128xf32, #tpu.memory_space<hbm>>)
        tpu.yield
      }) : () -> ()
    } else {
    }
    %mul3A_69 = arith.constant 10240 : i32
    %mul3A_70 = arith.muli %arg0, %mul3A_69 : i32
    %add3A = arith.addi %mul3A_70, %mul3A_0 : i32
    "tpu.region"() ({
      %run_scoped3A = tpu.sem_alloc : memref<!tpu.dma_semaphore, #tpu.memory_space<semaphore_mem>>
      %dma_start3A = tpu.memref_slice %arg10[%add3A] : memref<20480xf32, #tpu.memory_space<hbm>> -> memref<640xf32, #tpu.memory_space<hbm>>
      %dma_start3A_71 = tpu.memref_slice %arg19[%mul3A_0] : memref<10240xf32, #tpu.memory_space<vmem_shared>> -> memref<640xf32, #tpu.memory_space<vmem_shared>>
      tpu.enqueue_dma source(%dma_start3A_71 : memref<640xf32, #tpu.memory_space<vmem_shared>>) target(%dma_start3A : memref<640xf32, #tpu.memory_space<hbm>>) target_semaphore(%run_scoped3A : memref<!tpu.dma_semaphore, #tpu.memory_space<semaphore_mem>>)
      %dma_wait3A = tpu.memref_slice %arg10[%add3A] : memref<20480xf32, #tpu.memory_space<hbm>> -> memref<640xf32, #tpu.memory_space<hbm>>
      %dma_wait3A_72 = tpu.memref_slice %arg19[%mul3A_0] : memref<10240xf32, #tpu.memory_space<vmem_shared>> -> memref<640xf32, #tpu.memory_space<vmem_shared>>
      tpu.wait_dma2 semaphore(%run_scoped3A : memref<!tpu.dma_semaphore, #tpu.memory_space<semaphore_mem>>) src(%dma_wait3A_72 : memref<640xf32, #tpu.memory_space<vmem_shared>>) dst(%dma_wait3A : memref<640xf32, #tpu.memory_space<hbm>>)
      tpu.yield
    }) : () -> ()
    return
  }
}

#map = affine_map<(d0, d1) -> (0, 0)>
#map1 = affine_map<(d0, d1) -> (0)>
module attributes {stable_mosaic.version = 14 : i64} {
  func.func @sc_agg_l2(%arg0: i32, %arg1: i32, %arg2: memref<10240x128xf32, #tpu.memory_space<hbm>>, %arg3: memref<327680xi32, #tpu.memory_space<hbm>>, %arg4: memref<327680xi32, #tpu.memory_space<hbm>>, %arg5: memref<10240x128xf32, #tpu.memory_space<hbm>>, %arg6: memref<10240x128xf32, #tpu.memory_space<hbm>>, %arg7: memref<10240x128xf32, #tpu.memory_space<hbm>>, %arg8: memref<10240x128xf32, #tpu.memory_space<vmem_shared>>, %arg9: memref<5120xi32, #tpu.memory_space<vmem>>, %arg10: memref<5120xi32, #tpu.memory_space<vmem>>, %arg11: memref<128xi32, #tpu.memory_space<vmem>>, %arg12: memref<128x128xf32, #tpu.memory_space<vmem>>, %arg13: memref<128x128xf32, #tpu.memory_space<vmem>>, %arg14: memref<!tpu.dma_semaphore, #tpu.memory_space<semaphore_mem>>, %arg15: memref<!tpu.dma_semaphore, #tpu.memory_space<semaphore_mem>>) attributes {dimension_semantics = [#tpu.dimension_semantics<core_parallel>, #tpu.dimension_semantics<subcore_parallel>], iteration_bounds = array<i64: 2, 16>, scalar_prefetch = 0 : i64, scratch_operands = 8 : i64, tpu.core_type = #tpu.core_type<sc_vector_subcore>, window_params = [{transform_indices = #map}, {transform_indices = #map1}, {transform_indices = #map1}, {transform_indices = #map}, {transform_indices = #map}, {transform_indices = #map}]} {
    %mul3A = arith.constant 640 : i32
    %mul3A_0 = arith.muli %arg1, %mul3A : i32
    %mul3A_1 = arith.constant 16 : i32
    %mul3A_2 = arith.muli %arg0, %mul3A_1 : i32
    %add3A = arith.addi %mul3A_2, %arg1 : i32
    %mul3A_3 = arith.constant 10240 : i32
    %mul3A_4 = arith.muli %add3A, %mul3A_3 : i32
    "tpu.region"() ({
      %run_scoped3A = tpu.sem_alloc : memref<!tpu.dma_semaphore, #tpu.memory_space<semaphore_mem>>
      %dma_start3A = arith.constant 0 : i32
      %dma_start3A_18 = tpu.memref_slice %arg8[%mul3A_0, %dma_start3A] : memref<10240x128xf32, #tpu.memory_space<vmem_shared>> -> memref<640x128xf32, #tpu.memory_space<vmem_shared>>
      %dma_start3A_19 = arith.constant 0 : i32
      %dma_start3A_20 = tpu.memref_slice %arg5[%mul3A_0, %dma_start3A_19] : memref<10240x128xf32, #tpu.memory_space<hbm>> -> memref<640x128xf32, #tpu.memory_space<hbm>>
      tpu.enqueue_dma source(%dma_start3A_20 : memref<640x128xf32, #tpu.memory_space<hbm>>) target(%dma_start3A_18 : memref<640x128xf32, #tpu.memory_space<vmem_shared>>) target_semaphore(%run_scoped3A : memref<!tpu.dma_semaphore, #tpu.memory_space<semaphore_mem>>)
      %dma_wait3A = arith.constant 0 : i32
      %dma_wait3A_21 = tpu.memref_slice %arg8[%mul3A_0, %dma_wait3A] : memref<10240x128xf32, #tpu.memory_space<vmem_shared>> -> memref<640x128xf32, #tpu.memory_space<vmem_shared>>
      %dma_wait3A_22 = arith.constant 0 : i32
      %dma_wait3A_23 = tpu.memref_slice %arg5[%mul3A_0, %dma_wait3A_22] : memref<10240x128xf32, #tpu.memory_space<hbm>> -> memref<640x128xf32, #tpu.memory_space<hbm>>
      tpu.wait_dma2 semaphore(%run_scoped3A : memref<!tpu.dma_semaphore, #tpu.memory_space<semaphore_mem>>) src(%dma_wait3A_23 : memref<640x128xf32, #tpu.memory_space<hbm>>) dst(%dma_wait3A_21 : memref<640x128xf32, #tpu.memory_space<vmem_shared>>)
      tpu.yield
    }) : () -> ()
    %barrier3A = arith.constant 0 : index
    tpu.barrier barrier_id(%barrier3A)
    %scan3A = arith.constant 0 : i32
    %scan3A_5 = arith.constant 0 : i32
    %scan3A_6 = arith.constant 2 : i32
    %scan3A_7 = arith.addi %scan3A_5, %scan3A_6 : i32
    %scan3A_8 = arith.constant 1 : i32
    scf.for %scan3A_18 = %scan3A_5 to %scan3A_7 step %scan3A_8  : i32 {
      %mul3A_19 = arith.constant 5120 : i32
      %mul3A_20 = arith.muli %scan3A_18, %mul3A_19 : i32
      %add3A_21 = arith.addi %mul3A_4, %mul3A_20 : i32
      "tpu.region"() ({
        %run_scoped3A = tpu.sem_alloc : memref<!tpu.dma_semaphore, #tpu.memory_space<semaphore_mem>>
        %dma_start3A_37 = tpu.memref_slice %arg3[%add3A_21] : memref<327680xi32, #tpu.memory_space<hbm>> -> memref<5120xi32, #tpu.memory_space<hbm>>
        %dma_start3A_38 = tpu.memref_slice %arg3[%add3A_21] : memref<327680xi32, #tpu.memory_space<hbm>> -> memref<5120xi32, #tpu.memory_space<hbm>>
        tpu.enqueue_dma source(%dma_start3A_38 : memref<5120xi32, #tpu.memory_space<hbm>>) target(%arg9 : memref<5120xi32, #tpu.memory_space<vmem>>) target_semaphore(%run_scoped3A : memref<!tpu.dma_semaphore, #tpu.memory_space<semaphore_mem>>)
        %dma_wait3A = tpu.memref_slice %arg3[%add3A_21] : memref<327680xi32, #tpu.memory_space<hbm>> -> memref<5120xi32, #tpu.memory_space<hbm>>
        %dma_wait3A_39 = tpu.memref_slice %arg3[%add3A_21] : memref<327680xi32, #tpu.memory_space<hbm>> -> memref<5120xi32, #tpu.memory_space<hbm>>
        tpu.wait_dma2 semaphore(%run_scoped3A : memref<!tpu.dma_semaphore, #tpu.memory_space<semaphore_mem>>) src(%dma_wait3A_39 : memref<5120xi32, #tpu.memory_space<hbm>>) dst(%arg9 : memref<5120xi32, #tpu.memory_space<vmem>>)
        tpu.yield
      }) : () -> ()
      "tpu.region"() ({
        %run_scoped3A = tpu.sem_alloc : memref<!tpu.dma_semaphore, #tpu.memory_space<semaphore_mem>>
        %dma_start3A_37 = tpu.memref_slice %arg4[%add3A_21] : memref<327680xi32, #tpu.memory_space<hbm>> -> memref<5120xi32, #tpu.memory_space<hbm>>
        %dma_start3A_38 = tpu.memref_slice %arg4[%add3A_21] : memref<327680xi32, #tpu.memory_space<hbm>> -> memref<5120xi32, #tpu.memory_space<hbm>>
        tpu.enqueue_dma source(%dma_start3A_38 : memref<5120xi32, #tpu.memory_space<hbm>>) target(%arg10 : memref<5120xi32, #tpu.memory_space<vmem>>) target_semaphore(%run_scoped3A : memref<!tpu.dma_semaphore, #tpu.memory_space<semaphore_mem>>)
        %dma_wait3A = tpu.memref_slice %arg4[%add3A_21] : memref<327680xi32, #tpu.memory_space<hbm>> -> memref<5120xi32, #tpu.memory_space<hbm>>
        %dma_wait3A_39 = tpu.memref_slice %arg4[%add3A_21] : memref<327680xi32, #tpu.memory_space<hbm>> -> memref<5120xi32, #tpu.memory_space<hbm>>
        tpu.wait_dma2 semaphore(%run_scoped3A : memref<!tpu.dma_semaphore, #tpu.memory_space<semaphore_mem>>) src(%dma_wait3A_39 : memref<5120xi32, #tpu.memory_space<hbm>>) dst(%arg10 : memref<5120xi32, #tpu.memory_space<vmem>>)
        tpu.yield
      }) : () -> ()
      %dma_start3A = arith.constant 0 : i32
      %dma_start3A_22 = tpu.memref_slice %arg9[%dma_start3A] : memref<5120xi32, #tpu.memory_space<vmem>> -> memref<128xi32, #tpu.memory_space<vmem>>
      %dma_start3A_23 = arith.constant 0 : i32
      %dma_start3A_24 = arith.constant 0 : i32
      %dma_start3A_25 = tpu.memref_slice %arg2[%dma_start3A_23, %dma_start3A_24] : memref<10240x128xf32, #tpu.memory_space<hbm>> -> memref<10240x128xf32, #tpu.memory_space<hbm>>
      tpu.enqueue_indirect_dma source(%dma_start3A_25 : memref<10240x128xf32, #tpu.memory_space<hbm>>) target(%arg12 : memref<128x128xf32, #tpu.memory_space<vmem>>) offsets(%dma_start3A_22 : memref<128xi32, #tpu.memory_space<vmem>>) semaphore(%arg14 : memref<!tpu.dma_semaphore, #tpu.memory_space<semaphore_mem>>)
      %dma_start3A_26 = arith.constant 128 : i32
      %dma_start3A_27 = tpu.memref_slice %arg9[%dma_start3A_26] : memref<5120xi32, #tpu.memory_space<vmem>> -> memref<128xi32, #tpu.memory_space<vmem>>
      %dma_start3A_28 = arith.constant 0 : i32
      %dma_start3A_29 = arith.constant 0 : i32
      %dma_start3A_30 = tpu.memref_slice %arg2[%dma_start3A_28, %dma_start3A_29] : memref<10240x128xf32, #tpu.memory_space<hbm>> -> memref<10240x128xf32, #tpu.memory_space<hbm>>
      tpu.enqueue_indirect_dma source(%dma_start3A_30 : memref<10240x128xf32, #tpu.memory_space<hbm>>) target(%arg13 : memref<128x128xf32, #tpu.memory_space<vmem>>) offsets(%dma_start3A_27 : memref<128xi32, #tpu.memory_space<vmem>>) semaphore(%arg15 : memref<!tpu.dma_semaphore, #tpu.memory_space<semaphore_mem>>)
      %scan3A_31 = arith.constant 0 : i32
      %scan3A_32 = arith.constant 0 : i32
      %scan3A_33 = arith.constant 20 : i32
      %scan3A_34 = arith.addi %scan3A_32, %scan3A_33 : i32
      %scan3A_35 = arith.constant 1 : i32
      scf.for %scan3A_37 = %scan3A_32 to %scan3A_34 step %scan3A_35  : i32 {
        %mul3A_38 = arith.constant 2 : i32
        %mul3A_39 = arith.muli %mul3A_38, %scan3A_37 : i32
        %dma_wait3A = arith.constant 0 : i32
        %dma_wait3A_40 = tpu.memref_slice %arg9[%dma_wait3A] : memref<5120xi32, #tpu.memory_space<vmem>> -> memref<128xi32, #tpu.memory_space<vmem>>
        %dma_wait3A_41 = arith.constant 0 : i32
        %dma_wait3A_42 = arith.constant 0 : i32
        %dma_wait3A_43 = tpu.memref_slice %arg2[%dma_wait3A_41, %dma_wait3A_42] : memref<10240x128xf32, #tpu.memory_space<hbm>> -> memref<10240x128xf32, #tpu.memory_space<hbm>>
        tpu.wait_indirect_dma semaphore(%arg14 : memref<!tpu.dma_semaphore, #tpu.memory_space<semaphore_mem>>) src(%dma_wait3A_43 : memref<10240x128xf32, #tpu.memory_space<hbm>>) dst(%arg12 : memref<128x128xf32, #tpu.memory_space<vmem>>)
        %mul3A_44 = arith.constant 40 : i32
        %mul3A_45 = arith.muli %scan3A_18, %mul3A_44 : i32
        %add3A_46 = arith.addi %mul3A_45, %mul3A_39 : i32
        %mul3A_47 = arith.constant 128 : i32
        %mul3A_48 = arith.muli %mul3A_39, %mul3A_47 : i32
        %add3A_49 = arith.constant 0 : i32
        %add3A_50 = arith.addi %mul3A_48, %add3A_49 : i32
        %get3A = arith.index_cast %add3A_50 : i32 to index
        %get3A_51 = tpu.vector_load %arg10[%get3A] {strides = array<i32>} : memref<5120xi32, #tpu.memory_space<vmem>>, vector<16xi32>,
        %get3A_52 = vector.shape_cast %get3A_51 : vector<16xi32> to vector<16xi32>
        %swap3A = arith.constant 0 : index
        %swap3A_53 = tpu.vector_load %arg11[%swap3A] {strides = array<i32>} : memref<128xi32, #tpu.memory_space<vmem>>, vector<16xi32>,
        %swap3A_54 = vector.shape_cast %swap3A_53 : vector<16xi32> to vector<16xi32>
        %swap3A_55 = vector.shape_cast %get3A_52 : vector<16xi32> to vector<16xi32>
        tpu.vector_store %arg11[%swap3A], %swap3A_55 {strides = array<i32>} : memref<128xi32, #tpu.memory_space<vmem>>, vector<16xi32>,
        %add3A_56 = arith.constant 16 : i32
        %add3A_57 = arith.addi %mul3A_48, %add3A_56 : i32
        %get3A_58 = arith.index_cast %add3A_57 : i32 to index
        %get3A_59 = tpu.vector_load %arg10[%get3A_58] {strides = array<i32>} : memref<5120xi32, #tpu.memory_space<vmem>>, vector<16xi32>,
        %get3A_60 = vector.shape_cast %get3A_59 : vector<16xi32> to vector<16xi32>
        %swap3A_61 = arith.constant 16 : index
        %swap3A_62 = tpu.vector_load %arg11[%swap3A_61] {strides = array<i32>} : memref<128xi32, #tpu.memory_space<vmem>>, vector<16xi32>,
        %swap3A_63 = vector.shape_cast %swap3A_62 : vector<16xi32> to vector<16xi32>
        %swap3A_64 = vector.shape_cast %get3A_60 : vector<16xi32> to vector<16xi32>
        tpu.vector_store %arg11[%swap3A_61], %swap3A_64 {strides = array<i32>} : memref<128xi32, #tpu.memory_space<vmem>>, vector<16xi32>,
        %add3A_65 = arith.constant 32 : i32
        %add3A_66 = arith.addi %mul3A_48, %add3A_65 : i32
        %get3A_67 = arith.index_cast %add3A_66 : i32 to index
        %get3A_68 = tpu.vector_load %arg10[%get3A_67] {strides = array<i32>} : memref<5120xi32, #tpu.memory_space<vmem>>, vector<16xi32>,
        %get3A_69 = vector.shape_cast %get3A_68 : vector<16xi32> to vector<16xi32>
        %swap3A_70 = arith.constant 32 : index
        %swap3A_71 = tpu.vector_load %arg11[%swap3A_70] {strides = array<i32>} : memref<128xi32, #tpu.memory_space<vmem>>, vector<16xi32>,
        %swap3A_72 = vector.shape_cast %swap3A_71 : vector<16xi32> to vector<16xi32>
        %swap3A_73 = vector.shape_cast %get3A_69 : vector<16xi32> to vector<16xi32>
        tpu.vector_store %arg11[%swap3A_70], %swap3A_73 {strides = array<i32>} : memref<128xi32, #tpu.memory_space<vmem>>, vector<16xi32>,
        %add3A_74 = arith.constant 48 : i32
        %add3A_75 = arith.addi %mul3A_48, %add3A_74 : i32
        %get3A_76 = arith.index_cast %add3A_75 : i32 to index
        %get3A_77 = tpu.vector_load %arg10[%get3A_76] {strides = array<i32>} : memref<5120xi32, #tpu.memory_space<vmem>>, vector<16xi32>,
        %get3A_78 = vector.shape_cast %get3A_77 : vector<16xi32> to vector<16xi32>
        %swap3A_79 = arith.constant 48 : index
        %swap3A_80 = tpu.vector_load %arg11[%swap3A_79] {strides = array<i32>} : memref<128xi32, #tpu.memory_space<vmem>>, vector<16xi32>,
        %swap3A_81 = vector.shape_cast %swap3A_80 : vector<16xi32> to vector<16xi32>
        %swap3A_82 = vector.shape_cast %get3A_78 : vector<16xi32> to vector<16xi32>
        tpu.vector_store %arg11[%swap3A_79], %swap3A_82 {strides = array<i32>} : memref<128xi32, #tpu.memory_space<vmem>>, vector<16xi32>,
        %add3A_83 = arith.constant 64 : i32
        %add3A_84 = arith.addi %mul3A_48, %add3A_83 : i32
        %get3A_85 = arith.index_cast %add3A_84 : i32 to index
        %get3A_86 = tpu.vector_load %arg10[%get3A_85] {strides = array<i32>} : memref<5120xi32, #tpu.memory_space<vmem>>, vector<16xi32>,
        %get3A_87 = vector.shape_cast %get3A_86 : vector<16xi32> to vector<16xi32>
        %swap3A_88 = arith.constant 64 : index
        %swap3A_89 = tpu.vector_load %arg11[%swap3A_88] {strides = array<i32>} : memref<128xi32, #tpu.memory_space<vmem>>, vector<16xi32>,
        %swap3A_90 = vector.shape_cast %swap3A_89 : vector<16xi32> to vector<16xi32>
        %swap3A_91 = vector.shape_cast %get3A_87 : vector<16xi32> to vector<16xi32>
        tpu.vector_store %arg11[%swap3A_88], %swap3A_91 {strides = array<i32>} : memref<128xi32, #tpu.memory_space<vmem>>, vector<16xi32>,
        %add3A_92 = arith.constant 80 : i32
        %add3A_93 = arith.addi %mul3A_48, %add3A_92 : i32
        %get3A_94 = arith.index_cast %add3A_93 : i32 to index
        %get3A_95 = tpu.vector_load %arg10[%get3A_94] {strides = array<i32>} : memref<5120xi32, #tpu.memory_space<vmem>>, vector<16xi32>,
        %get3A_96 = vector.shape_cast %get3A_95 : vector<16xi32> to vector<16xi32>
        %swap3A_97 = arith.constant 80 : index
        %swap3A_98 = tpu.vector_load %arg11[%swap3A_97] {strides = array<i32>} : memref<128xi32, #tpu.memory_space<vmem>>, vector<16xi32>,
        %swap3A_99 = vector.shape_cast %swap3A_98 : vector<16xi32> to vector<16xi32>
        %swap3A_100 = vector.shape_cast %get3A_96 : vector<16xi32> to vector<16xi32>
        tpu.vector_store %arg11[%swap3A_97], %swap3A_100 {strides = array<i32>} : memref<128xi32, #tpu.memory_space<vmem>>, vector<16xi32>,
        %add3A_101 = arith.constant 96 : i32
        %add3A_102 = arith.addi %mul3A_48, %add3A_101 : i32
        %get3A_103 = arith.index_cast %add3A_102 : i32 to index
        %get3A_104 = tpu.vector_load %arg10[%get3A_103] {strides = array<i32>} : memref<5120xi32, #tpu.memory_space<vmem>>, vector<16xi32>,
        %get3A_105 = vector.shape_cast %get3A_104 : vector<16xi32> to vector<16xi32>
        %swap3A_106 = arith.constant 96 : index
        %swap3A_107 = tpu.vector_load %arg11[%swap3A_106] {strides = array<i32>} : memref<128xi32, #tpu.memory_space<vmem>>, vector<16xi32>,
        %swap3A_108 = vector.shape_cast %swap3A_107 : vector<16xi32> to vector<16xi32>
        %swap3A_109 = vector.shape_cast %get3A_105 : vector<16xi32> to vector<16xi32>
        tpu.vector_store %arg11[%swap3A_106], %swap3A_109 {strides = array<i32>} : memref<128xi32, #tpu.memory_space<vmem>>, vector<16xi32>,
        %add3A_110 = arith.constant 112 : i32
        %add3A_111 = arith.addi %mul3A_48, %add3A_110 : i32
        %get3A_112 = arith.index_cast %add3A_111 : i32 to index
        %get3A_113 = tpu.vector_load %arg10[%get3A_112] {strides = array<i32>} : memref<5120xi32, #tpu.memory_space<vmem>>, vector<16xi32>,
        %get3A_114 = vector.shape_cast %get3A_113 : vector<16xi32> to vector<16xi32>
        %swap3A_115 = arith.constant 112 : index
        %swap3A_116 = tpu.vector_load %arg11[%swap3A_115] {strides = array<i32>} : memref<128xi32, #tpu.memory_space<vmem>>, vector<16xi32>,
        %swap3A_117 = vector.shape_cast %swap3A_116 : vector<16xi32> to vector<16xi32>
        %swap3A_118 = vector.shape_cast %get3A_114 : vector<16xi32> to vector<16xi32>
        tpu.vector_store %arg11[%swap3A_115], %swap3A_118 {strides = array<i32>} : memref<128xi32, #tpu.memory_space<vmem>>, vector<16xi32>,
        "tpu.region"() ({
          %run_scoped3A = tpu.sem_alloc : memref<!tpu.dma_semaphore, #tpu.memory_space<semaphore_mem>>
          %dma_start3A_218 = arith.constant 0 : i32
          %dma_start3A_219 = arith.constant 0 : i32
          %dma_start3A_220 = tpu.memref_slice %arg8[%dma_start3A_218, %dma_start3A_219] : memref<10240x128xf32, #tpu.memory_space<vmem_shared>> -> memref<10240x128xf32, #tpu.memory_space<vmem_shared>>
          tpu.enqueue_indirect_dma source(%arg12 : memref<128x128xf32, #tpu.memory_space<vmem>>) target(%dma_start3A_220 : memref<10240x128xf32, #tpu.memory_space<vmem_shared>>) offsets(%arg11 : memref<128xi32, #tpu.memory_space<vmem>>) semaphore(%run_scoped3A : memref<!tpu.dma_semaphore, #tpu.memory_space<semaphore_mem>>) {add = true}
          %dma_wait3A_221 = arith.constant 0 : i32
          %dma_wait3A_222 = arith.constant 0 : i32
          %dma_wait3A_223 = tpu.memref_slice %arg8[%dma_wait3A_221, %dma_wait3A_222] : memref<10240x128xf32, #tpu.memory_space<vmem_shared>> -> memref<10240x128xf32, #tpu.memory_space<vmem_shared>>
          tpu.wait_indirect_dma semaphore(%run_scoped3A : memref<!tpu.dma_semaphore, #tpu.memory_space<semaphore_mem>>) src(%arg12 : memref<128x128xf32, #tpu.memory_space<vmem>>) dst(%dma_wait3A_223 : memref<10240x128xf32, #tpu.memory_space<vmem_shared>>)
          tpu.yield
        }) : () -> ()
        %add3A_119 = arith.constant 2 : i32
        %add3A_120 = arith.addi %mul3A_39, %add3A_119 : i32
        %lt3A = arith.constant 40 : i32
        %lt3A_121 = arith.cmpi slt, %add3A_120, %lt3A : i32
        %convert_element_type3A_122 = arith.extui %lt3A_121 : i1 to i32
        %cond3A_123 = arith.constant 0 : i32
        %cond3A_124 = arith.cmpi ne, %convert_element_type3A_122, %cond3A_123 : i32
        scf.if %cond3A_124 {
          %add3A_218 = arith.constant 2 : i32
          %add3A_219 = arith.addi %mul3A_39, %add3A_218 : i32
          %mul3A_220 = arith.constant 128 : i32
          %mul3A_221 = arith.muli %add3A_219, %mul3A_220 : i32
          %dma_start3A_222 = tpu.memref_slice %arg9[%mul3A_221] : memref<5120xi32, #tpu.memory_space<vmem>> -> memref<128xi32, #tpu.memory_space<vmem>>
          %dma_start3A_223 = arith.constant 0 : i32
          %dma_start3A_224 = arith.constant 0 : i32
          %dma_start3A_225 = tpu.memref_slice %arg2[%dma_start3A_223, %dma_start3A_224] : memref<10240x128xf32, #tpu.memory_space<hbm>> -> memref<10240x128xf32, #tpu.memory_space<hbm>>
          tpu.enqueue_indirect_dma source(%dma_start3A_225 : memref<10240x128xf32, #tpu.memory_space<hbm>>) target(%arg12 : memref<128x128xf32, #tpu.memory_space<vmem>>) offsets(%dma_start3A_222 : memref<128xi32, #tpu.memory_space<vmem>>) semaphore(%arg14 : memref<!tpu.dma_semaphore, #tpu.memory_space<semaphore_mem>>)
        } else {
        }
        %dma_wait3A_125 = arith.constant 0 : i32
        %dma_wait3A_126 = tpu.memref_slice %arg9[%dma_wait3A_125] : memref<5120xi32, #tpu.memory_space<vmem>> -> memref<128xi32, #tpu.memory_space<vmem>>
        %dma_wait3A_127 = arith.constant 0 : i32
        %dma_wait3A_128 = arith.constant 0 : i32
        %dma_wait3A_129 = tpu.memref_slice %arg2[%dma_wait3A_127, %dma_wait3A_128] : memref<10240x128xf32, #tpu.memory_space<hbm>> -> memref<10240x128xf32, #tpu.memory_space<hbm>>
        tpu.wait_indirect_dma semaphore(%arg15 : memref<!tpu.dma_semaphore, #tpu.memory_space<semaphore_mem>>) src(%dma_wait3A_129 : memref<10240x128xf32, #tpu.memory_space<hbm>>) dst(%arg13 : memref<128x128xf32, #tpu.memory_space<vmem>>)
        %add3A_130 = arith.constant 1 : i32
        %add3A_131 = arith.addi %mul3A_39, %add3A_130 : i32
        %mul3A_132 = arith.constant 40 : i32
        %mul3A_133 = arith.muli %scan3A_18, %mul3A_132 : i32
        %add3A_134 = arith.addi %mul3A_133, %mul3A_39 : i32
        %add3A_135 = arith.constant 1 : i32
        %add3A_136 = arith.addi %add3A_134, %add3A_135 : i32
        %mul3A_137 = arith.constant 128 : i32
        %mul3A_138 = arith.muli %add3A_131, %mul3A_137 : i32
        %add3A_139 = arith.constant 0 : i32
        %add3A_140 = arith.addi %mul3A_138, %add3A_139 : i32
        %get3A_141 = arith.index_cast %add3A_140 : i32 to index
        %get3A_142 = tpu.vector_load %arg10[%get3A_141] {strides = array<i32>} : memref<5120xi32, #tpu.memory_space<vmem>>, vector<16xi32>,
        %get3A_143 = vector.shape_cast %get3A_142 : vector<16xi32> to vector<16xi32>
        %swap3A_144 = arith.constant 0 : index
        %swap3A_145 = tpu.vector_load %arg11[%swap3A_144] {strides = array<i32>} : memref<128xi32, #tpu.memory_space<vmem>>, vector<16xi32>,
        %swap3A_146 = vector.shape_cast %swap3A_145 : vector<16xi32> to vector<16xi32>
        %swap3A_147 = vector.shape_cast %get3A_143 : vector<16xi32> to vector<16xi32>
        tpu.vector_store %arg11[%swap3A_144], %swap3A_147 {strides = array<i32>} : memref<128xi32, #tpu.memory_space<vmem>>, vector<16xi32>,
        %add3A_148 = arith.constant 16 : i32
        %add3A_149 = arith.addi %mul3A_138, %add3A_148 : i32
        %get3A_150 = arith.index_cast %add3A_149 : i32 to index
        %get3A_151 = tpu.vector_load %arg10[%get3A_150] {strides = array<i32>} : memref<5120xi32, #tpu.memory_space<vmem>>, vector<16xi32>,
        %get3A_152 = vector.shape_cast %get3A_151 : vector<16xi32> to vector<16xi32>
        %swap3A_153 = arith.constant 16 : index
        %swap3A_154 = tpu.vector_load %arg11[%swap3A_153] {strides = array<i32>} : memref<128xi32, #tpu.memory_space<vmem>>, vector<16xi32>,
        %swap3A_155 = vector.shape_cast %swap3A_154 : vector<16xi32> to vector<16xi32>
        %swap3A_156 = vector.shape_cast %get3A_152 : vector<16xi32> to vector<16xi32>
        tpu.vector_store %arg11[%swap3A_153], %swap3A_156 {strides = array<i32>} : memref<128xi32, #tpu.memory_space<vmem>>, vector<16xi32>,
        %add3A_157 = arith.constant 32 : i32
        %add3A_158 = arith.addi %mul3A_138, %add3A_157 : i32
        %get3A_159 = arith.index_cast %add3A_158 : i32 to index
        %get3A_160 = tpu.vector_load %arg10[%get3A_159] {strides = array<i32>} : memref<5120xi32, #tpu.memory_space<vmem>>, vector<16xi32>,
        %get3A_161 = vector.shape_cast %get3A_160 : vector<16xi32> to vector<16xi32>
        %swap3A_162 = arith.constant 32 : index
        %swap3A_163 = tpu.vector_load %arg11[%swap3A_162] {strides = array<i32>} : memref<128xi32, #tpu.memory_space<vmem>>, vector<16xi32>,
        %swap3A_164 = vector.shape_cast %swap3A_163 : vector<16xi32> to vector<16xi32>
        %swap3A_165 = vector.shape_cast %get3A_161 : vector<16xi32> to vector<16xi32>
        tpu.vector_store %arg11[%swap3A_162], %swap3A_165 {strides = array<i32>} : memref<128xi32, #tpu.memory_space<vmem>>, vector<16xi32>,
        %add3A_166 = arith.constant 48 : i32
        %add3A_167 = arith.addi %mul3A_138, %add3A_166 : i32
        %get3A_168 = arith.index_cast %add3A_167 : i32 to index
        %get3A_169 = tpu.vector_load %arg10[%get3A_168] {strides = array<i32>} : memref<5120xi32, #tpu.memory_space<vmem>>, vector<16xi32>,
        %get3A_170 = vector.shape_cast %get3A_169 : vector<16xi32> to vector<16xi32>
        %swap3A_171 = arith.constant 48 : index
        %swap3A_172 = tpu.vector_load %arg11[%swap3A_171] {strides = array<i32>} : memref<128xi32, #tpu.memory_space<vmem>>, vector<16xi32>,
        %swap3A_173 = vector.shape_cast %swap3A_172 : vector<16xi32> to vector<16xi32>
        %swap3A_174 = vector.shape_cast %get3A_170 : vector<16xi32> to vector<16xi32>
        tpu.vector_store %arg11[%swap3A_171], %swap3A_174 {strides = array<i32>} : memref<128xi32, #tpu.memory_space<vmem>>, vector<16xi32>,
        %add3A_175 = arith.constant 64 : i32
        %add3A_176 = arith.addi %mul3A_138, %add3A_175 : i32
        %get3A_177 = arith.index_cast %add3A_176 : i32 to index
        %get3A_178 = tpu.vector_load %arg10[%get3A_177] {strides = array<i32>} : memref<5120xi32, #tpu.memory_space<vmem>>, vector<16xi32>,
        %get3A_179 = vector.shape_cast %get3A_178 : vector<16xi32> to vector<16xi32>
        %swap3A_180 = arith.constant 64 : index
        %swap3A_181 = tpu.vector_load %arg11[%swap3A_180] {strides = array<i32>} : memref<128xi32, #tpu.memory_space<vmem>>, vector<16xi32>,
        %swap3A_182 = vector.shape_cast %swap3A_181 : vector<16xi32> to vector<16xi32>
        %swap3A_183 = vector.shape_cast %get3A_179 : vector<16xi32> to vector<16xi32>
        tpu.vector_store %arg11[%swap3A_180], %swap3A_183 {strides = array<i32>} : memref<128xi32, #tpu.memory_space<vmem>>, vector<16xi32>,
        %add3A_184 = arith.constant 80 : i32
        %add3A_185 = arith.addi %mul3A_138, %add3A_184 : i32
        %get3A_186 = arith.index_cast %add3A_185 : i32 to index
        %get3A_187 = tpu.vector_load %arg10[%get3A_186] {strides = array<i32>} : memref<5120xi32, #tpu.memory_space<vmem>>, vector<16xi32>,
        %get3A_188 = vector.shape_cast %get3A_187 : vector<16xi32> to vector<16xi32>
        %swap3A_189 = arith.constant 80 : index
        %swap3A_190 = tpu.vector_load %arg11[%swap3A_189] {strides = array<i32>} : memref<128xi32, #tpu.memory_space<vmem>>, vector<16xi32>,
        %swap3A_191 = vector.shape_cast %swap3A_190 : vector<16xi32> to vector<16xi32>
        %swap3A_192 = vector.shape_cast %get3A_188 : vector<16xi32> to vector<16xi32>
        tpu.vector_store %arg11[%swap3A_189], %swap3A_192 {strides = array<i32>} : memref<128xi32, #tpu.memory_space<vmem>>, vector<16xi32>,
        %add3A_193 = arith.constant 96 : i32
        %add3A_194 = arith.addi %mul3A_138, %add3A_193 : i32
        %get3A_195 = arith.index_cast %add3A_194 : i32 to index
        %get3A_196 = tpu.vector_load %arg10[%get3A_195] {strides = array<i32>} : memref<5120xi32, #tpu.memory_space<vmem>>, vector<16xi32>,
        %get3A_197 = vector.shape_cast %get3A_196 : vector<16xi32> to vector<16xi32>
        %swap3A_198 = arith.constant 96 : index
        %swap3A_199 = tpu.vector_load %arg11[%swap3A_198] {strides = array<i32>} : memref<128xi32, #tpu.memory_space<vmem>>, vector<16xi32>,
        %swap3A_200 = vector.shape_cast %swap3A_199 : vector<16xi32> to vector<16xi32>
        %swap3A_201 = vector.shape_cast %get3A_197 : vector<16xi32> to vector<16xi32>
        tpu.vector_store %arg11[%swap3A_198], %swap3A_201 {strides = array<i32>} : memref<128xi32, #tpu.memory_space<vmem>>, vector<16xi32>,
        %add3A_202 = arith.constant 112 : i32
        %add3A_203 = arith.addi %mul3A_138, %add3A_202 : i32
        %get3A_204 = arith.index_cast %add3A_203 : i32 to index
        %get3A_205 = tpu.vector_load %arg10[%get3A_204] {strides = array<i32>} : memref<5120xi32, #tpu.memory_space<vmem>>, vector<16xi32>,
        %get3A_206 = vector.shape_cast %get3A_205 : vector<16xi32> to vector<16xi32>
        %swap3A_207 = arith.constant 112 : index
        %swap3A_208 = tpu.vector_load %arg11[%swap3A_207] {strides = array<i32>} : memref<128xi32, #tpu.memory_space<vmem>>, vector<16xi32>,
        %swap3A_209 = vector.shape_cast %swap3A_208 : vector<16xi32> to vector<16xi32>
        %swap3A_210 = vector.shape_cast %get3A_206 : vector<16xi32> to vector<16xi32>
        tpu.vector_store %arg11[%swap3A_207], %swap3A_210 {strides = array<i32>} : memref<128xi32, #tpu.memory_space<vmem>>, vector<16xi32>,
        "tpu.region"() ({
          %run_scoped3A = tpu.sem_alloc : memref<!tpu.dma_semaphore, #tpu.memory_space<semaphore_mem>>
          %dma_start3A_218 = arith.constant 0 : i32
          %dma_start3A_219 = arith.constant 0 : i32
          %dma_start3A_220 = tpu.memref_slice %arg8[%dma_start3A_218, %dma_start3A_219] : memref<10240x128xf32, #tpu.memory_space<vmem_shared>> -> memref<10240x128xf32, #tpu.memory_space<vmem_shared>>
          tpu.enqueue_indirect_dma source(%arg13 : memref<128x128xf32, #tpu.memory_space<vmem>>) target(%dma_start3A_220 : memref<10240x128xf32, #tpu.memory_space<vmem_shared>>) offsets(%arg11 : memref<128xi32, #tpu.memory_space<vmem>>) semaphore(%run_scoped3A : memref<!tpu.dma_semaphore, #tpu.memory_space<semaphore_mem>>) {add = true}
          %dma_wait3A_221 = arith.constant 0 : i32
          %dma_wait3A_222 = arith.constant 0 : i32
          %dma_wait3A_223 = tpu.memref_slice %arg8[%dma_wait3A_221, %dma_wait3A_222] : memref<10240x128xf32, #tpu.memory_space<vmem_shared>> -> memref<10240x128xf32, #tpu.memory_space<vmem_shared>>
          tpu.wait_indirect_dma semaphore(%run_scoped3A : memref<!tpu.dma_semaphore, #tpu.memory_space<semaphore_mem>>) src(%arg13 : memref<128x128xf32, #tpu.memory_space<vmem>>) dst(%dma_wait3A_223 : memref<10240x128xf32, #tpu.memory_space<vmem_shared>>)
          tpu.yield
        }) : () -> ()
        %add3A_211 = arith.constant 3 : i32
        %add3A_212 = arith.addi %mul3A_39, %add3A_211 : i32
        %lt3A_213 = arith.constant 40 : i32
        %lt3A_214 = arith.cmpi slt, %add3A_212, %lt3A_213 : i32
        %convert_element_type3A_215 = arith.extui %lt3A_214 : i1 to i32
        %cond3A_216 = arith.constant 0 : i32
        %cond3A_217 = arith.cmpi ne, %convert_element_type3A_215, %cond3A_216 : i32
        scf.if %cond3A_217 {
          %add3A_218 = arith.constant 3 : i32
          %add3A_219 = arith.addi %mul3A_39, %add3A_218 : i32
          %mul3A_220 = arith.constant 128 : i32
          %mul3A_221 = arith.muli %add3A_219, %mul3A_220 : i32
          %dma_start3A_222 = tpu.memref_slice %arg9[%mul3A_221] : memref<5120xi32, #tpu.memory_space<vmem>> -> memref<128xi32, #tpu.memory_space<vmem>>
          %dma_start3A_223 = arith.constant 0 : i32
          %dma_start3A_224 = arith.constant 0 : i32
          %dma_start3A_225 = tpu.memref_slice %arg2[%dma_start3A_223, %dma_start3A_224] : memref<10240x128xf32, #tpu.memory_space<hbm>> -> memref<10240x128xf32, #tpu.memory_space<hbm>>
          tpu.enqueue_indirect_dma source(%dma_start3A_225 : memref<10240x128xf32, #tpu.memory_space<hbm>>) target(%arg13 : memref<128x128xf32, #tpu.memory_space<vmem>>) offsets(%dma_start3A_222 : memref<128xi32, #tpu.memory_space<vmem>>) semaphore(%arg15 : memref<!tpu.dma_semaphore, #tpu.memory_space<semaphore_mem>>)
        } else {
        }
      }
      %scan3A_36 = arith.constant 20 : i32
    }
    %scan3A_9 = arith.constant 2 : i32
    %barrier3A_10 = arith.constant 0 : index
    tpu.barrier barrier_id(%barrier3A_10)
    %eq3A = arith.constant 0 : i32
    %eq3A_11 = arith.cmpi eq, %arg0, %eq3A : i32
    %convert_element_type3A = arith.extui %eq3A_11 : i1 to i32
    %cond3A = arith.constant 0 : i32
    %cond3A_12 = arith.cmpi ne, %convert_element_type3A, %cond3A : i32
    scf.if %cond3A_12 {
      "tpu.region"() ({
        %run_scoped3A = tpu.sem_alloc : memref<!tpu.dma_semaphore, #tpu.memory_space<semaphore_mem>>
        %dma_start3A = arith.constant 0 : i32
        %dma_start3A_18 = tpu.memref_slice %arg6[%mul3A_0, %dma_start3A] : memref<10240x128xf32, #tpu.memory_space<hbm>> -> memref<640x128xf32, #tpu.memory_space<hbm>>
        %dma_start3A_19 = arith.constant 0 : i32
        %dma_start3A_20 = tpu.memref_slice %arg8[%mul3A_0, %dma_start3A_19] : memref<10240x128xf32, #tpu.memory_space<vmem_shared>> -> memref<640x128xf32, #tpu.memory_space<vmem_shared>>
        tpu.enqueue_dma source(%dma_start3A_20 : memref<640x128xf32, #tpu.memory_space<vmem_shared>>) target(%dma_start3A_18 : memref<640x128xf32, #tpu.memory_space<hbm>>) target_semaphore(%run_scoped3A : memref<!tpu.dma_semaphore, #tpu.memory_space<semaphore_mem>>)
        %dma_wait3A = arith.constant 0 : i32
        %dma_wait3A_21 = tpu.memref_slice %arg6[%mul3A_0, %dma_wait3A] : memref<10240x128xf32, #tpu.memory_space<hbm>> -> memref<640x128xf32, #tpu.memory_space<hbm>>
        %dma_wait3A_22 = arith.constant 0 : i32
        %dma_wait3A_23 = tpu.memref_slice %arg8[%mul3A_0, %dma_wait3A_22] : memref<10240x128xf32, #tpu.memory_space<vmem_shared>> -> memref<640x128xf32, #tpu.memory_space<vmem_shared>>
        tpu.wait_dma2 semaphore(%run_scoped3A : memref<!tpu.dma_semaphore, #tpu.memory_space<semaphore_mem>>) src(%dma_wait3A_23 : memref<640x128xf32, #tpu.memory_space<vmem_shared>>) dst(%dma_wait3A_21 : memref<640x128xf32, #tpu.memory_space<hbm>>)
        tpu.yield
      }) : () -> ()
    } else {
    }
    %eq3A_13 = arith.constant 1 : i32
    %eq3A_14 = arith.cmpi eq, %arg0, %eq3A_13 : i32
    %convert_element_type3A_15 = arith.extui %eq3A_14 : i1 to i32
    %cond3A_16 = arith.constant 0 : i32
    %cond3A_17 = arith.cmpi ne, %convert_element_type3A_15, %cond3A_16 : i32
    scf.if %cond3A_17 {
      "tpu.region"() ({
        %run_scoped3A = tpu.sem_alloc : memref<!tpu.dma_semaphore, #tpu.memory_space<semaphore_mem>>
        %dma_start3A = arith.constant 0 : i32
        %dma_start3A_18 = tpu.memref_slice %arg7[%mul3A_0, %dma_start3A] : memref<10240x128xf32, #tpu.memory_space<hbm>> -> memref<640x128xf32, #tpu.memory_space<hbm>>
        %dma_start3A_19 = arith.constant 0 : i32
        %dma_start3A_20 = tpu.memref_slice %arg8[%mul3A_0, %dma_start3A_19] : memref<10240x128xf32, #tpu.memory_space<vmem_shared>> -> memref<640x128xf32, #tpu.memory_space<vmem_shared>>
        tpu.enqueue_dma source(%dma_start3A_20 : memref<640x128xf32, #tpu.memory_space<vmem_shared>>) target(%dma_start3A_18 : memref<640x128xf32, #tpu.memory_space<hbm>>) target_semaphore(%run_scoped3A : memref<!tpu.dma_semaphore, #tpu.memory_space<semaphore_mem>>)
        %dma_wait3A = arith.constant 0 : i32
        %dma_wait3A_21 = tpu.memref_slice %arg7[%mul3A_0, %dma_wait3A] : memref<10240x128xf32, #tpu.memory_space<hbm>> -> memref<640x128xf32, #tpu.memory_space<hbm>>
        %dma_wait3A_22 = arith.constant 0 : i32
        %dma_wait3A_23 = tpu.memref_slice %arg8[%mul3A_0, %dma_wait3A_22] : memref<10240x128xf32, #tpu.memory_space<vmem_shared>> -> memref<640x128xf32, #tpu.memory_space<vmem_shared>>
        tpu.wait_dma2 semaphore(%run_scoped3A : memref<!tpu.dma_semaphore, #tpu.memory_space<semaphore_mem>>) src(%dma_wait3A_23 : memref<640x128xf32, #tpu.memory_space<vmem_shared>>) dst(%dma_wait3A_21 : memref<640x128xf32, #tpu.memory_space<hbm>>)
        tpu.yield
      }) : () -> ()
    } else {
    }
    return
  }
}

module attributes {stable_mosaic.version = 14 : i64} {
  func.func @body(%arg0: i32, %arg1: memref<2000x128xf32, #tpu.memory_space<vmem>>, %arg2: memref<2000x128xf32, #tpu.memory_space<vmem>>, %arg3: memref<128x128xf32, #tpu.memory_space<vmem>>, %arg4: memref<128x128xf32, #tpu.memory_space<vmem>>, %arg5: memref<2000x128xf32, #tpu.memory_space<vmem>>, %arg6: memref<2000x128xf32, #tpu.memory_space<vmem>>) attributes {dimension_semantics = [#tpu.dimension_semantics<arbitrary>], iteration_bounds = array<i64: 5>, scalar_prefetch = 0 : i64, scratch_operands = 0 : i64, tpu.core_type = #tpu.core_type<tc>, window_params = [{transform_indices = @transform_0, window_bounds = array<i64: 2000, 128>}, {transform_indices = @transform_1, window_bounds = array<i64: 2000, 128>}, {pipeline_mode = #tpu.pipeline_mode<synchronous>, transform_indices = @transform_2, window_bounds = array<i64: 128, 128>}, {pipeline_mode = #tpu.pipeline_mode<synchronous>, transform_indices = @transform_3, window_bounds = array<i64: 128, 128>}, {transform_indices = @transform_4, window_bounds = array<i64: 2000, 128>}, {transform_indices = @transform_5, window_bounds = array<i64: 2000, 128>}]} {
    %get3A = arith.constant 0 : index
    %get3A_0 = arith.constant 0 : index
    %get3A_1 = vector.load %arg1[%get3A, %get3A_0] : memref<2000x128xf32, #tpu.memory_space<vmem>>, vector<2000x128xf32>
    %get3A_2 = arith.constant 0 : index
    %get3A_3 = arith.constant 0 : index
    %get3A_4 = vector.load %arg3[%get3A_2, %get3A_3] : memref<128x128xf32, #tpu.memory_space<vmem>>, vector<128x128xf32>
    %dot_general3A = arith.constant dense<0.000000e+00> : vector<2000x128xf32>
    %dot_general3A_5 = tpu.matmul %get3A_1, %get3A_4, %dot_general3A {dimension_numbers = #tpu.dot_dimension_numbers<[1], [0], [0], [1], [0, 0, 1, 1], [], []>, transpose_lhs_hint = false} : vector<2000x128xf32>, vector<128x128xf32>, vector<2000x128xf32> -> vector<2000x128xf32>
    %swap3A = arith.constant 0 : index
    %swap3A_6 = arith.constant 0 : index
    %swap3A_7 = vector.load %arg5[%swap3A, %swap3A_6] : memref<2000x128xf32, #tpu.memory_space<vmem>>, vector<2000x128xf32>
    tpu.vector_store %arg5[%swap3A, %swap3A_6], %dot_general3A_5 {strides = array<i32>} : memref<2000x128xf32, #tpu.memory_space<vmem>>, vector<2000x128xf32>,
    %get3A_8 = arith.constant 0 : index
    %get3A_9 = arith.constant 0 : index
    %get3A_10 = vector.load %arg2[%get3A_8, %get3A_9] : memref<2000x128xf32, #tpu.memory_space<vmem>>, vector<2000x128xf32>
    %get3A_11 = arith.constant 0 : index
    %get3A_12 = arith.constant 0 : index
    %get3A_13 = vector.load %arg4[%get3A_11, %get3A_12] : memref<128x128xf32, #tpu.memory_space<vmem>>, vector<128x128xf32>
    %dot_general3A_14 = arith.constant dense<0.000000e+00> : vector<2000x128xf32>
    %dot_general3A_15 = tpu.matmul %get3A_10, %get3A_13, %dot_general3A_14 {dimension_numbers = #tpu.dot_dimension_numbers<[1], [0], [0], [1], [0, 0, 1, 1], [], []>, transpose_lhs_hint = false} : vector<2000x128xf32>, vector<128x128xf32>, vector<2000x128xf32> -> vector<2000x128xf32>
    %swap3A_16 = arith.constant 0 : index
    %swap3A_17 = arith.constant 0 : index
    %swap3A_18 = vector.load %arg6[%swap3A_16, %swap3A_17] : memref<2000x128xf32, #tpu.memory_space<vmem>>, vector<2000x128xf32>
    tpu.vector_store %arg6[%swap3A_16, %swap3A_17], %dot_general3A_15 {strides = array<i32>} : memref<2000x128xf32, #tpu.memory_space<vmem>>, vector<2000x128xf32>,
    return
  }
  func.func @transform_0(%arg0: i32) -> (i32, i32) {
    %c0_i32 = arith.constant 0 : i32
    %c0_i32_0 = arith.constant 0 : i32
    return %arg0, %c0_i32 : i32, i32
  }
  func.func @transform_1(%arg0: i32) -> (i32, i32) {
    %c0_i32 = arith.constant 0 : i32
    %c0_i32_0 = arith.constant 0 : i32
    return %arg0, %c0_i32 : i32, i32
  }
  func.func @transform_2(%arg0: i32) -> (i32, i32) {
    %c0_i32 = arith.constant 0 : i32
    %c0_i32_0 = arith.constant 0 : i32
    %c0_i32_1 = arith.constant 0 : i32
    return %c0_i32, %c0_i32_0 : i32, i32
  }
  func.func @transform_3(%arg0: i32) -> (i32, i32) {
    %c0_i32 = arith.constant 0 : i32
    %c0_i32_0 = arith.constant 0 : i32
    %c0_i32_1 = arith.constant 0 : i32
    return %c0_i32, %c0_i32_0 : i32, i32
  }
  func.func @transform_4(%arg0: i32) -> (i32, i32) {
    %c0_i32 = arith.constant 0 : i32
    %c0_i32_0 = arith.constant 0 : i32
    return %arg0, %c0_i32 : i32, i32
  }
  func.func @transform_5(%arg0: i32) -> (i32, i32) {
    %c0_i32 = arith.constant 0 : i32
    %c0_i32_0 = arith.constant 0 : i32
    return %arg0, %c0_i32 : i32, i32
  }
}

module attributes {stable_mosaic.version = 14 : i64} {
  func.func @body(%arg0: i32, %arg1: memref<2000x128xf32, #tpu.memory_space<vmem>>, %arg2: memref<2000x128xf32, #tpu.memory_space<vmem>>, %arg3: memref<128x128xf32, #tpu.memory_space<vmem>>, %arg4: memref<1x128xf32, #tpu.memory_space<vmem>>, %arg5: memref<128x128xf32, #tpu.memory_space<vmem>>, %arg6: memref<1x128xf32, #tpu.memory_space<vmem>>, %arg7: memref<2000x128xf32, #tpu.memory_space<vmem>>, %arg8: memref<2000x128xf32, #tpu.memory_space<vmem>>) attributes {dimension_semantics = [#tpu.dimension_semantics<arbitrary>], iteration_bounds = array<i64: 5>, scalar_prefetch = 0 : i64, scratch_operands = 0 : i64, tpu.core_type = #tpu.core_type<tc>, window_params = [{transform_indices = @transform_0, window_bounds = array<i64: 2000, 128>}, {transform_indices = @transform_1, window_bounds = array<i64: 2000, 128>}, {pipeline_mode = #tpu.pipeline_mode<synchronous>, transform_indices = @transform_2, window_bounds = array<i64: 128, 128>}, {pipeline_mode = #tpu.pipeline_mode<synchronous>, transform_indices = @transform_3, window_bounds = array<i64: 1, 128>}, {pipeline_mode = #tpu.pipeline_mode<synchronous>, transform_indices = @transform_4, window_bounds = array<i64: 128, 128>}, {pipeline_mode = #tpu.pipeline_mode<synchronous>, transform_indices = @transform_5, window_bounds = array<i64: 1, 128>}, {transform_indices = @transform_6, window_bounds = array<i64: 2000, 128>}, {transform_indices = @transform_7, window_bounds = array<i64: 2000, 128>}]} {
    %get3A = arith.constant 0 : index
    %get3A_0 = arith.constant 0 : index
    %get3A_1 = vector.load %arg1[%get3A, %get3A_0] : memref<2000x128xf32, #tpu.memory_space<vmem>>, vector<2000x128xf32>
    %get3A_2 = arith.constant 0 : index
    %get3A_3 = arith.constant 0 : index
    %get3A_4 = vector.load %arg3[%get3A_2, %get3A_3] : memref<128x128xf32, #tpu.memory_space<vmem>>, vector<128x128xf32>
    %dot_general3A = arith.constant dense<0.000000e+00> : vector<2000x128xf32>
    %dot_general3A_5 = tpu.matmul %get3A_1, %get3A_4, %dot_general3A {dimension_numbers = #tpu.dot_dimension_numbers<[1], [0], [0], [1], [0, 0, 1, 1], [], []>, transpose_lhs_hint = false} : vector<2000x128xf32>, vector<128x128xf32>, vector<2000x128xf32> -> vector<2000x128xf32>
    %get3A_6 = arith.constant 0 : index
    %get3A_7 = arith.constant 0 : index
    %get3A_8 = vector.load %arg4[%get3A_6, %get3A_7] : memref<1x128xf32, #tpu.memory_space<vmem>>, vector<1x128xf32>
    %add3A = vector.broadcast %get3A_8 : vector<1x128xf32> to vector<2000x128xf32>
    %add3A_9 = arith.addf %dot_general3A_5, %add3A : vector<2000x128xf32>
    %swap3A = arith.constant 0 : index
    %swap3A_10 = arith.constant 0 : index
    %swap3A_11 = vector.load %arg7[%swap3A, %swap3A_10] : memref<2000x128xf32, #tpu.memory_space<vmem>>, vector<2000x128xf32>
    tpu.vector_store %arg7[%swap3A, %swap3A_10], %add3A_9 {strides = array<i32>} : memref<2000x128xf32, #tpu.memory_space<vmem>>, vector<2000x128xf32>,
    %get3A_12 = arith.constant 0 : index
    %get3A_13 = arith.constant 0 : index
    %get3A_14 = vector.load %arg2[%get3A_12, %get3A_13] : memref<2000x128xf32, #tpu.memory_space<vmem>>, vector<2000x128xf32>
    %get3A_15 = arith.constant 0 : index
    %get3A_16 = arith.constant 0 : index
    %get3A_17 = vector.load %arg5[%get3A_15, %get3A_16] : memref<128x128xf32, #tpu.memory_space<vmem>>, vector<128x128xf32>
    %dot_general3A_18 = arith.constant dense<0.000000e+00> : vector<2000x128xf32>
    %dot_general3A_19 = tpu.matmul %get3A_14, %get3A_17, %dot_general3A_18 {dimension_numbers = #tpu.dot_dimension_numbers<[1], [0], [0], [1], [0, 0, 1, 1], [], []>, transpose_lhs_hint = false} : vector<2000x128xf32>, vector<128x128xf32>, vector<2000x128xf32> -> vector<2000x128xf32>
    %get3A_20 = arith.constant 0 : index
    %get3A_21 = arith.constant 0 : index
    %get3A_22 = vector.load %arg6[%get3A_20, %get3A_21] : memref<1x128xf32, #tpu.memory_space<vmem>>, vector<1x128xf32>
    %add3A_23 = vector.broadcast %get3A_22 : vector<1x128xf32> to vector<2000x128xf32>
    %add3A_24 = arith.addf %dot_general3A_19, %add3A_23 : vector<2000x128xf32>
    %swap3A_25 = arith.constant 0 : index
    %swap3A_26 = arith.constant 0 : index
    %swap3A_27 = vector.load %arg8[%swap3A_25, %swap3A_26] : memref<2000x128xf32, #tpu.memory_space<vmem>>, vector<2000x128xf32>
    tpu.vector_store %arg8[%swap3A_25, %swap3A_26], %add3A_24 {strides = array<i32>} : memref<2000x128xf32, #tpu.memory_space<vmem>>, vector<2000x128xf32>,
    return
  }
  func.func @transform_0(%arg0: i32) -> (i32, i32) {
    %c0_i32 = arith.constant 0 : i32
    %c0_i32_0 = arith.constant 0 : i32
    return %arg0, %c0_i32 : i32, i32
  }
  func.func @transform_1(%arg0: i32) -> (i32, i32) {
    %c0_i32 = arith.constant 0 : i32
    %c0_i32_0 = arith.constant 0 : i32
    return %arg0, %c0_i32 : i32, i32
  }
  func.func @transform_2(%arg0: i32) -> (i32, i32) {
    %c0_i32 = arith.constant 0 : i32
    %c0_i32_0 = arith.constant 0 : i32
    %c0_i32_1 = arith.constant 0 : i32
    return %c0_i32, %c0_i32_0 : i32, i32
  }
  func.func @transform_3(%arg0: i32) -> (i32, i32) {
    %c0_i32 = arith.constant 0 : i32
    %c0_i32_0 = arith.constant 0 : i32
    %c0_i32_1 = arith.constant 0 : i32
    return %c0_i32, %c0_i32_0 : i32, i32
  }
  func.func @transform_4(%arg0: i32) -> (i32, i32) {
    %c0_i32 = arith.constant 0 : i32
    %c0_i32_0 = arith.constant 0 : i32
    %c0_i32_1 = arith.constant 0 : i32
    return %c0_i32, %c0_i32_0 : i32, i32
  }
  func.func @transform_5(%arg0: i32) -> (i32, i32) {
    %c0_i32 = arith.constant 0 : i32
    %c0_i32_0 = arith.constant 0 : i32
    %c0_i32_1 = arith.constant 0 : i32
    return %c0_i32, %c0_i32_0 : i32, i32
  }
  func.func @transform_6(%arg0: i32) -> (i32, i32) {
    %c0_i32 = arith.constant 0 : i32
    %c0_i32_0 = arith.constant 0 : i32
    return %arg0, %c0_i32 : i32, i32
  }
  func.func @transform_7(%arg0: i32) -> (i32, i32) {
    %c0_i32 = arith.constant 0 : i32
    %c0_i32_0 = arith.constant 0 : i32
    return %arg0, %c0_i32 : i32, i32
  }
}

module attributes {stable_mosaic.version = 14 : i64} {
  func.func @body(%arg0: i32, %arg1: memref<2000x128xf32, #tpu.memory_space<vmem>>, %arg2: memref<2000x128xf32, #tpu.memory_space<vmem>>, %arg3: memref<2000x1xf32, #tpu.memory_space<vmem>>, %arg4: memref<2000x1xf32, #tpu.memory_space<vmem>>, %arg5: memref<2000x128xf32, #tpu.memory_space<vmem>>, %arg6: memref<2000x128xf32, #tpu.memory_space<vmem>>, %arg7: memref<128x64xf32, #tpu.memory_space<vmem>>, %arg8: memref<128x64xf32, #tpu.memory_space<vmem>>, %arg9: memref<2000x128xf32, #tpu.memory_space<vmem>>) attributes {dimension_semantics = [#tpu.dimension_semantics<arbitrary>], iteration_bounds = array<i64: 5>, scalar_prefetch = 0 : i64, scratch_operands = 0 : i64, tpu.core_type = #tpu.core_type<tc>, window_params = [{transform_indices = @transform_0, window_bounds = array<i64: 2000, 128>}, {transform_indices = @transform_1, window_bounds = array<i64: 2000, 128>}, {transform_indices = @transform_2, window_bounds = array<i64: 2000, 1>}, {transform_indices = @transform_3, window_bounds = array<i64: 2000, 1>}, {transform_indices = @transform_4, window_bounds = array<i64: 2000, 128>}, {transform_indices = @transform_5, window_bounds = array<i64: 2000, 128>}, {pipeline_mode = #tpu.pipeline_mode<synchronous>, transform_indices = @transform_6, window_bounds = array<i64: 128, 64>}, {pipeline_mode = #tpu.pipeline_mode<synchronous>, transform_indices = @transform_7, window_bounds = array<i64: 128, 64>}, {transform_indices = @transform_8, window_bounds = array<i64: 2000, 128>}]} {
    %get3A = arith.constant 0 : index
    %get3A_0 = arith.constant 0 : index
    %get3A_1 = vector.load %arg3[%get3A, %get3A_0] : memref<2000x1xf32, #tpu.memory_space<vmem>>, vector<2000x1xf32>
    %get3A_2 = arith.constant 0 : index
    %get3A_3 = arith.constant 0 : index
    %get3A_4 = vector.load %arg4[%get3A_2, %get3A_3] : memref<2000x1xf32, #tpu.memory_space<vmem>>, vector<2000x1xf32>
    %add3A = arith.addf %get3A_1, %get3A_4 : vector<2000x1xf32>
    %max3A = arith.constant 1.000000e+00 : f32
    %max3A_5 = vector.broadcast %max3A : f32 to vector<2000x1xf32>
    %max3A_6 = arith.maximumf %add3A, %max3A_5 : vector<2000x1xf32>
    %div3A = arith.constant 1.000000e+00 : f32
    %div3A_7 = vector.broadcast %div3A : f32 to vector<2000x1xf32>
    %div3A_8 = arith.divf %div3A_7, %max3A_6 : vector<2000x1xf32>
    %get3A_9 = arith.constant 0 : index
    %get3A_10 = arith.constant 0 : index
    %get3A_11 = vector.load %arg5[%get3A_9, %get3A_10] : memref<2000x128xf32, #tpu.memory_space<vmem>>, vector<2000x128xf32>
    %get3A_12 = arith.constant 0 : index
    %get3A_13 = arith.constant 0 : index
    %get3A_14 = vector.load %arg1[%get3A_12, %get3A_13] : memref<2000x128xf32, #tpu.memory_space<vmem>>, vector<2000x128xf32>
    %mul3A = vector.broadcast %div3A_8 : vector<2000x1xf32> to vector<2000x128xf32>
    %mul3A_15 = arith.mulf %get3A_14, %mul3A : vector<2000x128xf32>
    %add3A_16 = arith.addf %get3A_11, %mul3A_15 : vector<2000x128xf32>
    %max3A_17 = arith.constant 0.000000e+00 : f32
    %max3A_18 = vector.broadcast %max3A_17 : f32 to vector<2000x128xf32>
    %max3A_19 = arith.maximumf %add3A_16, %max3A_18 : vector<2000x128xf32>
    %get3A_20 = arith.constant 0 : index
    %get3A_21 = arith.constant 0 : index
    %get3A_22 = vector.load %arg6[%get3A_20, %get3A_21] : memref<2000x128xf32, #tpu.memory_space<vmem>>, vector<2000x128xf32>
    %get3A_23 = arith.constant 0 : index
    %get3A_24 = arith.constant 0 : index
    %get3A_25 = vector.load %arg2[%get3A_23, %get3A_24] : memref<2000x128xf32, #tpu.memory_space<vmem>>, vector<2000x128xf32>
    %mul3A_26 = vector.broadcast %div3A_8 : vector<2000x1xf32> to vector<2000x128xf32>
    %mul3A_27 = arith.mulf %get3A_25, %mul3A_26 : vector<2000x128xf32>
    %add3A_28 = arith.addf %get3A_22, %mul3A_27 : vector<2000x128xf32>
    %max3A_29 = arith.constant 0.000000e+00 : f32
    %max3A_30 = vector.broadcast %max3A_29 : f32 to vector<2000x128xf32>
    %max3A_31 = arith.maximumf %add3A_28, %max3A_30 : vector<2000x128xf32>
    %get3A_32 = arith.constant 0 : index
    %get3A_33 = arith.constant 0 : index
    %get3A_34 = vector.load %arg7[%get3A_32, %get3A_33] : memref<128x64xf32, #tpu.memory_space<vmem>>, vector<128x64xf32>
    %dot_general3A = arith.constant dense<0.000000e+00> : vector<2000x64xf32>
    %dot_general3A_35 = tpu.matmul %max3A_19, %get3A_34, %dot_general3A {dimension_numbers = #tpu.dot_dimension_numbers<[1], [0], [0], [1], [0, 0, 1, 1], [], []>, transpose_lhs_hint = false} : vector<2000x128xf32>, vector<128x64xf32>, vector<2000x64xf32> -> vector<2000x64xf32>
    %get3A_36 = arith.constant 0 : index
    %get3A_37 = arith.constant 0 : index
    %get3A_38 = vector.load %arg8[%get3A_36, %get3A_37] : memref<128x64xf32, #tpu.memory_space<vmem>>, vector<128x64xf32>
    %dot_general3A_39 = arith.constant dense<0.000000e+00> : vector<2000x64xf32>
    %dot_general3A_40 = tpu.matmul %max3A_31, %get3A_38, %dot_general3A_39 {dimension_numbers = #tpu.dot_dimension_numbers<[1], [0], [0], [1], [0, 0, 1, 1], [], []>, transpose_lhs_hint = false} : vector<2000x128xf32>, vector<128x64xf32>, vector<2000x64xf32> -> vector<2000x64xf32>
    %concatenate3A = tpu.concatenate %dot_general3A_35, %dot_general3A_40 in 1 : vector<2000x64xf32>, vector<2000x64xf32> -> vector<2000x128xf32>
    %swap3A = arith.constant 0 : index
    %swap3A_41 = arith.constant 0 : index
    %swap3A_42 = vector.load %arg9[%swap3A, %swap3A_41] : memref<2000x128xf32, #tpu.memory_space<vmem>>, vector<2000x128xf32>
    tpu.vector_store %arg9[%swap3A, %swap3A_41], %concatenate3A {strides = array<i32>} : memref<2000x128xf32, #tpu.memory_space<vmem>>, vector<2000x128xf32>,
    return
  }
  func.func @transform_0(%arg0: i32) -> (i32, i32) {
    %c0_i32 = arith.constant 0 : i32
    %c0_i32_0 = arith.constant 0 : i32
    return %arg0, %c0_i32 : i32, i32
  }
  func.func @transform_1(%arg0: i32) -> (i32, i32) {
    %c0_i32 = arith.constant 0 : i32
    %c0_i32_0 = arith.constant 0 : i32
    return %arg0, %c0_i32 : i32, i32
  }
  func.func @transform_2(%arg0: i32) -> (i32, i32) {
    %c0_i32 = arith.constant 0 : i32
    %c0_i32_0 = arith.constant 0 : i32
    return %arg0, %c0_i32 : i32, i32
  }
  func.func @transform_3(%arg0: i32) -> (i32, i32) {
    %c0_i32 = arith.constant 0 : i32
    %c0_i32_0 = arith.constant 0 : i32
    return %arg0, %c0_i32 : i32, i32
  }
  func.func @transform_4(%arg0: i32) -> (i32, i32) {
    %c0_i32 = arith.constant 0 : i32
    %c0_i32_0 = arith.constant 0 : i32
    return %arg0, %c0_i32 : i32, i32
  }
  func.func @transform_5(%arg0: i32) -> (i32, i32) {
    %c0_i32 = arith.constant 0 : i32
    %c0_i32_0 = arith.constant 0 : i32
    return %arg0, %c0_i32 : i32, i32
  }
  func.func @transform_6(%arg0: i32) -> (i32, i32) {
    %c0_i32 = arith.constant 0 : i32
    %c0_i32_0 = arith.constant 0 : i32
    %c0_i32_1 = arith.constant 0 : i32
    return %c0_i32, %c0_i32_0 : i32, i32
  }
  func.func @transform_7(%arg0: i32) -> (i32, i32) {
    %c0_i32 = arith.constant 0 : i32
    %c0_i32_0 = arith.constant 0 : i32
    %c0_i32_1 = arith.constant 0 : i32
    return %c0_i32, %c0_i32_0 : i32, i32
  }
  func.func @transform_8(%arg0: i32) -> (i32, i32) {
    %c0_i32 = arith.constant 0 : i32
    %c0_i32_0 = arith.constant 0 : i32
    return %arg0, %c0_i32 : i32, i32
  }
}

module attributes {stable_mosaic.version = 14 : i64} {
  func.func @body(%arg0: i32, %arg1: memref<2000x128xf32, #tpu.memory_space<vmem>>, %arg2: memref<2000x128xf32, #tpu.memory_space<vmem>>, %arg3: memref<2000x1xf32, #tpu.memory_space<vmem>>, %arg4: memref<2000x1xf32, #tpu.memory_space<vmem>>, %arg5: memref<2000x128xf32, #tpu.memory_space<vmem>>, %arg6: memref<2000x128xf32, #tpu.memory_space<vmem>>, %arg7: memref<128x64xf32, #tpu.memory_space<vmem>>, %arg8: memref<1x64xf32, #tpu.memory_space<vmem>>, %arg9: memref<128x64xf32, #tpu.memory_space<vmem>>, %arg10: memref<1x64xf32, #tpu.memory_space<vmem>>, %arg11: memref<2000x128xf32, #tpu.memory_space<vmem>>) attributes {dimension_semantics = [#tpu.dimension_semantics<arbitrary>], iteration_bounds = array<i64: 5>, scalar_prefetch = 0 : i64, scratch_operands = 0 : i64, tpu.core_type = #tpu.core_type<tc>, window_params = [{transform_indices = @transform_0, window_bounds = array<i64: 2000, 128>}, {transform_indices = @transform_1, window_bounds = array<i64: 2000, 128>}, {transform_indices = @transform_2, window_bounds = array<i64: 2000, 1>}, {transform_indices = @transform_3, window_bounds = array<i64: 2000, 1>}, {transform_indices = @transform_4, window_bounds = array<i64: 2000, 128>}, {transform_indices = @transform_5, window_bounds = array<i64: 2000, 128>}, {pipeline_mode = #tpu.pipeline_mode<synchronous>, transform_indices = @transform_6, window_bounds = array<i64: 128, 64>}, {pipeline_mode = #tpu.pipeline_mode<synchronous>, transform_indices = @transform_7, window_bounds = array<i64: 1, 64>}, {pipeline_mode = #tpu.pipeline_mode<synchronous>, transform_indices = @transform_8, window_bounds = array<i64: 128, 64>}, {pipeline_mode = #tpu.pipeline_mode<synchronous>, transform_indices = @transform_9, window_bounds = array<i64: 1, 64>}, {transform_indices = @transform_10, window_bounds = array<i64: 2000, 128>}]} {
    %get3A = arith.constant 0 : index
    %get3A_0 = arith.constant 0 : index
    %get3A_1 = vector.load %arg3[%get3A, %get3A_0] : memref<2000x1xf32, #tpu.memory_space<vmem>>, vector<2000x1xf32>
    %get3A_2 = arith.constant 0 : index
    %get3A_3 = arith.constant 0 : index
    %get3A_4 = vector.load %arg4[%get3A_2, %get3A_3] : memref<2000x1xf32, #tpu.memory_space<vmem>>, vector<2000x1xf32>
    %add3A = arith.addf %get3A_1, %get3A_4 : vector<2000x1xf32>
    %max3A = arith.constant 1.000000e+00 : f32
    %max3A_5 = vector.broadcast %max3A : f32 to vector<2000x1xf32>
    %max3A_6 = arith.maximumf %add3A, %max3A_5 : vector<2000x1xf32>
    %div3A = arith.constant 1.000000e+00 : f32
    %div3A_7 = vector.broadcast %div3A : f32 to vector<2000x1xf32>
    %div3A_8 = arith.divf %div3A_7, %max3A_6 : vector<2000x1xf32>
    %get3A_9 = arith.constant 0 : index
    %get3A_10 = arith.constant 0 : index
    %get3A_11 = vector.load %arg5[%get3A_9, %get3A_10] : memref<2000x128xf32, #tpu.memory_space<vmem>>, vector<2000x128xf32>
    %get3A_12 = arith.constant 0 : index
    %get3A_13 = arith.constant 0 : index
    %get3A_14 = vector.load %arg1[%get3A_12, %get3A_13] : memref<2000x128xf32, #tpu.memory_space<vmem>>, vector<2000x128xf32>
    %mul3A = vector.broadcast %div3A_8 : vector<2000x1xf32> to vector<2000x128xf32>
    %mul3A_15 = arith.mulf %get3A_14, %mul3A : vector<2000x128xf32>
    %add3A_16 = arith.addf %get3A_11, %mul3A_15 : vector<2000x128xf32>
    %max3A_17 = arith.constant 0.000000e+00 : f32
    %max3A_18 = vector.broadcast %max3A_17 : f32 to vector<2000x128xf32>
    %max3A_19 = arith.maximumf %add3A_16, %max3A_18 : vector<2000x128xf32>
    %get3A_20 = arith.constant 0 : index
    %get3A_21 = arith.constant 0 : index
    %get3A_22 = vector.load %arg6[%get3A_20, %get3A_21] : memref<2000x128xf32, #tpu.memory_space<vmem>>, vector<2000x128xf32>
    %get3A_23 = arith.constant 0 : index
    %get3A_24 = arith.constant 0 : index
    %get3A_25 = vector.load %arg2[%get3A_23, %get3A_24] : memref<2000x128xf32, #tpu.memory_space<vmem>>, vector<2000x128xf32>
    %mul3A_26 = vector.broadcast %div3A_8 : vector<2000x1xf32> to vector<2000x128xf32>
    %mul3A_27 = arith.mulf %get3A_25, %mul3A_26 : vector<2000x128xf32>
    %add3A_28 = arith.addf %get3A_22, %mul3A_27 : vector<2000x128xf32>
    %max3A_29 = arith.constant 0.000000e+00 : f32
    %max3A_30 = vector.broadcast %max3A_29 : f32 to vector<2000x128xf32>
    %max3A_31 = arith.maximumf %add3A_28, %max3A_30 : vector<2000x128xf32>
    %get3A_32 = arith.constant 0 : index
    %get3A_33 = arith.constant 0 : index
    %get3A_34 = vector.load %arg7[%get3A_32, %get3A_33] : memref<128x64xf32, #tpu.memory_space<vmem>>, vector<128x64xf32>
    %dot_general3A = arith.constant dense<0.000000e+00> : vector<2000x64xf32>
    %dot_general3A_35 = tpu.matmul %max3A_19, %get3A_34, %dot_general3A {dimension_numbers = #tpu.dot_dimension_numbers<[1], [0], [0], [1], [0, 0, 1, 1], [], []>, transpose_lhs_hint = false} : vector<2000x128xf32>, vector<128x64xf32>, vector<2000x64xf32> -> vector<2000x64xf32>
    %get3A_36 = arith.constant 0 : index
    %get3A_37 = arith.constant 0 : index
    %get3A_38 = vector.load %arg8[%get3A_36, %get3A_37] : memref<1x64xf32, #tpu.memory_space<vmem>>, vector<1x64xf32>
    %add3A_39 = vector.broadcast %get3A_38 : vector<1x64xf32> to vector<2000x64xf32>
    %add3A_40 = arith.addf %dot_general3A_35, %add3A_39 : vector<2000x64xf32>
    %get3A_41 = arith.constant 0 : index
    %get3A_42 = arith.constant 0 : index
    %get3A_43 = vector.load %arg9[%get3A_41, %get3A_42] : memref<128x64xf32, #tpu.memory_space<vmem>>, vector<128x64xf32>
    %dot_general3A_44 = arith.constant dense<0.000000e+00> : vector<2000x64xf32>
    %dot_general3A_45 = tpu.matmul %max3A_31, %get3A_43, %dot_general3A_44 {dimension_numbers = #tpu.dot_dimension_numbers<[1], [0], [0], [1], [0, 0, 1, 1], [], []>, transpose_lhs_hint = false} : vector<2000x128xf32>, vector<128x64xf32>, vector<2000x64xf32> -> vector<2000x64xf32>
    %get3A_46 = arith.constant 0 : index
    %get3A_47 = arith.constant 0 : index
    %get3A_48 = vector.load %arg10[%get3A_46, %get3A_47] : memref<1x64xf32, #tpu.memory_space<vmem>>, vector<1x64xf32>
    %add3A_49 = vector.broadcast %get3A_48 : vector<1x64xf32> to vector<2000x64xf32>
    %add3A_50 = arith.addf %dot_general3A_45, %add3A_49 : vector<2000x64xf32>
    %concatenate3A = tpu.concatenate %add3A_40, %add3A_50 in 1 : vector<2000x64xf32>, vector<2000x64xf32> -> vector<2000x128xf32>
    %swap3A = arith.constant 0 : index
    %swap3A_51 = arith.constant 0 : index
    %swap3A_52 = vector.load %arg11[%swap3A, %swap3A_51] : memref<2000x128xf32, #tpu.memory_space<vmem>>, vector<2000x128xf32>
    tpu.vector_store %arg11[%swap3A, %swap3A_51], %concatenate3A {strides = array<i32>} : memref<2000x128xf32, #tpu.memory_space<vmem>>, vector<2000x128xf32>,
    return
  }
  func.func @transform_0(%arg0: i32) -> (i32, i32) {
    %c0_i32 = arith.constant 0 : i32
    %c0_i32_0 = arith.constant 0 : i32
    return %arg0, %c0_i32 : i32, i32
  }
  func.func @transform_1(%arg0: i32) -> (i32, i32) {
    %c0_i32 = arith.constant 0 : i32
    %c0_i32_0 = arith.constant 0 : i32
    return %arg0, %c0_i32 : i32, i32
  }
  func.func @transform_2(%arg0: i32) -> (i32, i32) {
    %c0_i32 = arith.constant 0 : i32
    %c0_i32_0 = arith.constant 0 : i32
    return %arg0, %c0_i32 : i32, i32
  }
  func.func @transform_3(%arg0: i32) -> (i32, i32) {
    %c0_i32 = arith.constant 0 : i32
    %c0_i32_0 = arith.constant 0 : i32
    return %arg0, %c0_i32 : i32, i32
  }
  func.func @transform_4(%arg0: i32) -> (i32, i32) {
    %c0_i32 = arith.constant 0 : i32
    %c0_i32_0 = arith.constant 0 : i32
    return %arg0, %c0_i32 : i32, i32
  }
  func.func @transform_5(%arg0: i32) -> (i32, i32) {
    %c0_i32 = arith.constant 0 : i32
    %c0_i32_0 = arith.constant 0 : i32
    return %arg0, %c0_i32 : i32, i32
  }
  func.func @transform_6(%arg0: i32) -> (i32, i32) {
    %c0_i32 = arith.constant 0 : i32
    %c0_i32_0 = arith.constant 0 : i32
    %c0_i32_1 = arith.constant 0 : i32
    return %c0_i32, %c0_i32_0 : i32, i32
  }
  func.func @transform_7(%arg0: i32) -> (i32, i32) {
    %c0_i32 = arith.constant 0 : i32
    %c0_i32_0 = arith.constant 0 : i32
    %c0_i32_1 = arith.constant 0 : i32
    return %c0_i32, %c0_i32_0 : i32, i32
  }
  func.func @transform_8(%arg0: i32) -> (i32, i32) {
    %c0_i32 = arith.constant 0 : i32
    %c0_i32_0 = arith.constant 0 : i32
    %c0_i32_1 = arith.constant 0 : i32
    return %c0_i32, %c0_i32_0 : i32, i32
  }
  func.func @transform_9(%arg0: i32) -> (i32, i32) {
    %c0_i32 = arith.constant 0 : i32
    %c0_i32_0 = arith.constant 0 : i32
    %c0_i32_1 = arith.constant 0 : i32
    return %c0_i32, %c0_i32_0 : i32, i32
  }
  func.func @transform_10(%arg0: i32) -> (i32, i32) {
    %c0_i32 = arith.constant 0 : i32
    %c0_i32_0 = arith.constant 0 : i32
    return %arg0, %c0_i32 : i32, i32
  }
}

module attributes {stable_mosaic.version = 14 : i64} {
  func.func @body(%arg0: i32, %arg1: memref<2000x128xf32, #tpu.memory_space<vmem>>, %arg2: memref<2000x128xf32, #tpu.memory_space<vmem>>, %arg3: memref<2000x1xf32, #tpu.memory_space<vmem>>, %arg4: memref<2000x1xf32, #tpu.memory_space<vmem>>, %arg5: memref<2000x128xf32, #tpu.memory_space<vmem>>, %arg6: memref<128x128xf32, #tpu.memory_space<vmem>>, %arg7: memref<1x128xf32, #tpu.memory_space<vmem>>, %arg8: memref<128x64xf32, #tpu.memory_space<vmem>>, %arg9: memref<1x64xf32, #tpu.memory_space<vmem>>, %arg10: memref<2000x64xf32, #tpu.memory_space<vmem>>) attributes {dimension_semantics = [#tpu.dimension_semantics<arbitrary>], iteration_bounds = array<i64: 5>, scalar_prefetch = 0 : i64, scratch_operands = 0 : i64, tpu.core_type = #tpu.core_type<tc>, window_params = [{transform_indices = @transform_0, window_bounds = array<i64: 2000, 128>}, {transform_indices = @transform_1, window_bounds = array<i64: 2000, 128>}, {transform_indices = @transform_2, window_bounds = array<i64: 2000, 1>}, {transform_indices = @transform_3, window_bounds = array<i64: 2000, 1>}, {transform_indices = @transform_4, window_bounds = array<i64: 2000, 128>}, {pipeline_mode = #tpu.pipeline_mode<synchronous>, transform_indices = @transform_5, window_bounds = array<i64: 128, 128>}, {pipeline_mode = #tpu.pipeline_mode<synchronous>, transform_indices = @transform_6, window_bounds = array<i64: 1, 128>}, {pipeline_mode = #tpu.pipeline_mode<synchronous>, transform_indices = @transform_7, window_bounds = array<i64: 128, 64>}, {pipeline_mode = #tpu.pipeline_mode<synchronous>, transform_indices = @transform_8, window_bounds = array<i64: 1, 64>}, {transform_indices = @transform_9, window_bounds = array<i64: 2000, 64>}]} {
    %get3A = arith.constant 0 : index
    %get3A_0 = arith.constant 0 : index
    %get3A_1 = vector.load %arg3[%get3A, %get3A_0] : memref<2000x1xf32, #tpu.memory_space<vmem>>, vector<2000x1xf32>
    %get3A_2 = arith.constant 0 : index
    %get3A_3 = arith.constant 0 : index
    %get3A_4 = vector.load %arg4[%get3A_2, %get3A_3] : memref<2000x1xf32, #tpu.memory_space<vmem>>, vector<2000x1xf32>
    %add3A = arith.addf %get3A_1, %get3A_4 : vector<2000x1xf32>
    %max3A = arith.constant 1.000000e+00 : f32
    %max3A_5 = vector.broadcast %max3A : f32 to vector<2000x1xf32>
    %max3A_6 = arith.maximumf %add3A, %max3A_5 : vector<2000x1xf32>
    %div3A = arith.constant 1.000000e+00 : f32
    %div3A_7 = vector.broadcast %div3A : f32 to vector<2000x1xf32>
    %div3A_8 = arith.divf %div3A_7, %max3A_6 : vector<2000x1xf32>
    %get3A_9 = arith.constant 0 : index
    %get3A_10 = arith.constant 0 : index
    %get3A_11 = vector.load %arg5[%get3A_9, %get3A_10] : memref<2000x128xf32, #tpu.memory_space<vmem>>, vector<2000x128xf32>
    %get3A_12 = arith.constant 0 : index
    %get3A_13 = arith.constant 0 : index
    %get3A_14 = vector.load %arg1[%get3A_12, %get3A_13] : memref<2000x128xf32, #tpu.memory_space<vmem>>, vector<2000x128xf32>
    %get3A_15 = arith.constant 0 : index
    %get3A_16 = arith.constant 0 : index
    %get3A_17 = vector.load %arg2[%get3A_15, %get3A_16] : memref<2000x128xf32, #tpu.memory_space<vmem>>, vector<2000x128xf32>
    %add3A_18 = arith.addf %get3A_14, %get3A_17 : vector<2000x128xf32>
    %mul3A = vector.broadcast %div3A_8 : vector<2000x1xf32> to vector<2000x128xf32>
    %mul3A_19 = arith.mulf %add3A_18, %mul3A : vector<2000x128xf32>
    %add3A_20 = arith.addf %get3A_11, %mul3A_19 : vector<2000x128xf32>
    %get3A_21 = arith.constant 0 : index
    %get3A_22 = arith.constant 0 : index
    %get3A_23 = vector.load %arg6[%get3A_21, %get3A_22] : memref<128x128xf32, #tpu.memory_space<vmem>>, vector<128x128xf32>
    %dot_general3A = arith.constant dense<0.000000e+00> : vector<2000x128xf32>
    %dot_general3A_24 = tpu.matmul %add3A_20, %get3A_23, %dot_general3A {dimension_numbers = #tpu.dot_dimension_numbers<[1], [0], [0], [1], [0, 0, 1, 1], [], []>, transpose_lhs_hint = false} : vector<2000x128xf32>, vector<128x128xf32>, vector<2000x128xf32> -> vector<2000x128xf32>
    %get3A_25 = arith.constant 0 : index
    %get3A_26 = arith.constant 0 : index
    %get3A_27 = vector.load %arg7[%get3A_25, %get3A_26] : memref<1x128xf32, #tpu.memory_space<vmem>>, vector<1x128xf32>
    %add3A_28 = vector.broadcast %get3A_27 : vector<1x128xf32> to vector<2000x128xf32>
    %add3A_29 = arith.addf %dot_general3A_24, %add3A_28 : vector<2000x128xf32>
    %max3A_30 = arith.constant 0.000000e+00 : f32
    %max3A_31 = vector.broadcast %max3A_30 : f32 to vector<2000x128xf32>
    %max3A_32 = arith.maximumf %add3A_29, %max3A_31 : vector<2000x128xf32>
    %get3A_33 = arith.constant 0 : index
    %get3A_34 = arith.constant 0 : index
    %get3A_35 = vector.load %arg8[%get3A_33, %get3A_34] : memref<128x64xf32, #tpu.memory_space<vmem>>, vector<128x64xf32>
    %dot_general3A_36 = arith.constant dense<0.000000e+00> : vector<2000x64xf32>
    %dot_general3A_37 = tpu.matmul %max3A_32, %get3A_35, %dot_general3A_36 {dimension_numbers = #tpu.dot_dimension_numbers<[1], [0], [0], [1], [0, 0, 1, 1], [], []>, transpose_lhs_hint = false} : vector<2000x128xf32>, vector<128x64xf32>, vector<2000x64xf32> -> vector<2000x64xf32>
    %get3A_38 = arith.constant 0 : index
    %get3A_39 = arith.constant 0 : index
    %get3A_40 = vector.load %arg9[%get3A_38, %get3A_39] : memref<1x64xf32, #tpu.memory_space<vmem>>, vector<1x64xf32>
    %add3A_41 = vector.broadcast %get3A_40 : vector<1x64xf32> to vector<2000x64xf32>
    %add3A_42 = arith.addf %dot_general3A_37, %add3A_41 : vector<2000x64xf32>
    %swap3A = arith.constant 0 : index
    %swap3A_43 = arith.constant 0 : index
    %swap3A_44 = vector.load %arg10[%swap3A, %swap3A_43] : memref<2000x64xf32, #tpu.memory_space<vmem>>, vector<2000x64xf32>
    tpu.vector_store %arg10[%swap3A, %swap3A_43], %add3A_42 {strides = array<i32>} : memref<2000x64xf32, #tpu.memory_space<vmem>>, vector<2000x64xf32>,
    return
  }
  func.func @transform_0(%arg0: i32) -> (i32, i32) {
    %c0_i32 = arith.constant 0 : i32
    %c0_i32_0 = arith.constant 0 : i32
    return %arg0, %c0_i32 : i32, i32
  }
  func.func @transform_1(%arg0: i32) -> (i32, i32) {
    %c0_i32 = arith.constant 0 : i32
    %c0_i32_0 = arith.constant 0 : i32
    return %arg0, %c0_i32 : i32, i32
  }
  func.func @transform_2(%arg0: i32) -> (i32, i32) {
    %c0_i32 = arith.constant 0 : i32
    %c0_i32_0 = arith.constant 0 : i32
    return %arg0, %c0_i32 : i32, i32
  }
  func.func @transform_3(%arg0: i32) -> (i32, i32) {
    %c0_i32 = arith.constant 0 : i32
    %c0_i32_0 = arith.constant 0 : i32
    return %arg0, %c0_i32 : i32, i32
  }
  func.func @transform_4(%arg0: i32) -> (i32, i32) {
    %c0_i32 = arith.constant 0 : i32
    %c0_i32_0 = arith.constant 0 : i32
    return %arg0, %c0_i32 : i32, i32
  }
  func.func @transform_5(%arg0: i32) -> (i32, i32) {
    %c0_i32 = arith.constant 0 : i32
    %c0_i32_0 = arith.constant 0 : i32
    %c0_i32_1 = arith.constant 0 : i32
    return %c0_i32, %c0_i32_0 : i32, i32
  }
  func.func @transform_6(%arg0: i32) -> (i32, i32) {
    %c0_i32 = arith.constant 0 : i32
    %c0_i32_0 = arith.constant 0 : i32
    %c0_i32_1 = arith.constant 0 : i32
    return %c0_i32, %c0_i32_0 : i32, i32
  }
  func.func @transform_7(%arg0: i32) -> (i32, i32) {
    %c0_i32 = arith.constant 0 : i32
    %c0_i32_0 = arith.constant 0 : i32
    %c0_i32_1 = arith.constant 0 : i32
    return %c0_i32, %c0_i32_0 : i32, i32
  }
  func.func @transform_8(%arg0: i32) -> (i32, i32) {
    %c0_i32 = arith.constant 0 : i32
    %c0_i32_0 = arith.constant 0 : i32
    %c0_i32_1 = arith.constant 0 : i32
    return %c0_i32, %c0_i32_0 : i32, i32
  }
  func.func @transform_9(%arg0: i32) -> (i32, i32) {
    %c0_i32 = arith.constant 0 : i32
    %c0_i32_0 = arith.constant 0 : i32
    return %arg0, %c0_i32 : i32, i32
  }
}

</mosaic_0001>

<sc_bundles>
// kernel: sc_agg_l1.3.cloned.1.call-start
scs
__scs_entry_jumppad:
0x0: {  	(pc) =	sbr.rel $0x88, $3  }
0x1: {  	(tag) =	ssettag $0x0;
	lr =	simm.s32 $0x1  }
0x2: {  	[smem:$0x3F8E] =	sst lr;
	_ =	strace $0xD0000000  }
0x3: {  	_ = 	snop  }
0x4: {  	_ = 	snop  }
0x5: {  	_ = 	snop  }
0x6: {  	_ = 	snop  }
0x7: {  	_ = 	snop  }
__scs_overlays_trampoline_lowered:
0x8: {  	[smem:$0x3F9D] =	sst s0  }
0x9: {  	[smem:$0x3F9E] =	sst s1  }
0xa: {  	[smem:$0x3F9F] =	sst s2  }
0xb: {  	[smem:$0x3FA0] =	sst s3  }
0xc: {  	[smem:$0x3FA1] =	sst s4  }
0xd: {  	[smem:$0x3FA2] =	sst s5  }
0xe: {  	[smem:$0x3FA3] =	sst s6  }
0xf: {  	[smem:$0x3FA4] =	sst s7  }
0x10: {  	[smem:$0x3FA5] =	sst s8  }
0x11: {  	[smem:$0x3FA6] =	sst s9;
	s0 =	simm.s32 @!p0 $0x0  }
0x12: {  	s1 =	sld [smem:$0x3F8C];
	s0 =	simm.s32 @p0 $0x1  }
0x13: {  	[smem:$0x3FA7] =	sst s0;
	s0 =	simm.s32 @!p1 $0x0  }
0x14: {  	s2 =	sld [smem:$0x3F8B];
	s0 =	simm.s32 @p1 $0x1  }
0x15: {  	[smem:$0x3FA8] =	sst s0;
	s0 =	simm.s32 @!p2 $0x0  }
0x16: {  	s3 =	sld [smem:$0x3FDB];
	s0 =	simm.s32 @p2 $0x1  }
0x17: {  	s4 =	simm.s32 $0x1BF5;
	[smem:$0x3FAA] =	sst s0  }
0x18: {  	s0 =	sld [smem:$0x3F8D];
	_ =	swait.ge [sflag:s4], $0x0  }
0x19: {  	s7 =	sld [smem:$0x3F8E]  }
0x1a: {  	s8 =	sadd.s32 $0xFFFFE003, lr  }
0x1b: {  	s9 =	sadd.s32 $0xFFFFFEF7, lr;
	s5 =	simm.s32 $0xFFFFFFFF;
	p2 =	slt.u32 s8, $0xFFFFF086  }
0x1c: {  	p1 =	slt.u32 s9, $0xF7A;
	s5 =	simm.s32 @!p2 $0x0  }
0x1d: {  	s5 =	simm.s32 @p1 $0x1;
	p0 =	seq.s32 s7, s2  }
0x1e: {  	s7 =	smul.u32 @!p0 $0xF7A, s2;
	p2 =	seq.s32 @!p0 s5, $0x0  }
0x1f: {  	s9 =	smul.u32 $0xF7A, s1;
	s8 =	simm.s32 @!p0 $0x1BF5;
	p2 =	por !p2, p0  }
0x20: {  	[sflag:s8] =	ssyncset.s32 @!p0 $0xFFFFF086;
	s6 =	sadd.s32 @!p0 s3, s7;
	s7 =	simm.s32 @!p0 $0x108  }
0x21: {  	s3 =	sadd.s32 s3, s9;
	s6 =	sadd.s32 @!p0 $0x88, s6;
	s7 =	simm.s32 @p2 $0x1082  }
0x22: {  	[simem:s7], [sflag:s8] =	dma.local @!p0 [hbm:s6], $0xF7A  }
0x23: {  	s9 =	sor.u32 $0xD0000000, s2;
	s6 =	simm.s32 $0x108;
	_ =	swait.ge @!p0 [sflag:s8], $0x0  }
0x24: {  	s3 =	sadd.s32 $0x88, s3;
	s6 =	simm.s32 @!p1 $0x1082;
	[sflag:s4] =	ssyncset.s32 $0xFFFFF086  }
0x25: {  	[simem:s6], [sflag:s4] =	dma.local [hbm:s3], $0xF7A  }
0x26: {  	[smem:$0x3F8E] =	sst s1;
	(tag) =	ssettag s2;
	_ =	strace s9  }
0x27: {  	s1 =	sld [smem:$0x3F9E]  }
0x28: {  	s2 =	sld [smem:$0x3F9F]  }
0x29: {  	s4 =	sld [smem:$0x3FA1]  }
0x2a: {  	p0 =	seq.s32 s5, $0x0;
	s5 =	sld [smem:$0x3FA2]  }
0x2b: {  	s6 =	sld [smem:$0x3FA3]  }
0x2c: {  	s7 =	sld [smem:$0x3FA4]  }
0x2d: {  	s3 =	simm.s32 $0x108;
	s8 =	sld [smem:$0x3FA5]  }
0x2e: {  	s3 =	simm.s32 @!p0 $0x1082;
	s9 =	sld [smem:$0x3FA6]  }
0x2f: {  	lr =	sadd.s32 s0, s3;
	s0 =	sld [smem:$0x3F9D]  }
0x30: {  	s3 =	sld [smem:$0x3FA0]  }
0x31: {  	[smem:$0x3FA9] =	sst s10  }
0x32: {  	s10 =	sld [smem:$0x3FA7];
	_ =	sdelay $0x3  }
0x33: {  	p0 =	seq.s32 s10, $0x1;
	s10 =	sld [smem:$0x3FA9];
	_ =	sdelay $0x3  }
0x34: {  	[smem:$0x3FA9] =	sst s10  }
0x35: {  	s10 =	sld [smem:$0x3FA8];
	_ =	sdelay $0x3  }
0x36: {  	p1 =	seq.s32 s10, $0x1;
	s10 =	sld [smem:$0x3FA9];
	_ =	sdelay $0x3  }
0x37: {  	[smem:$0x3FA9] =	sst s10  }
0x38: {  	s10 =	sld [smem:$0x3FAA]  }
0x39: {  	_ = 	snop;
	(pc) =	sbr.ind lr, $3  }
0x3a: {  	_ = 	snop  }
0x3b: {  	_ = 	snop  }
0x3c: {  	p2 =	seq.s32 s10, $0x1;
	s10 =	sld [smem:$0x3FA9]  }
0x3d: {  	_ =	shalt  }
0x3e: {  	_ =	shalt  }
0x3f: {  	_ =	shalt  }
0x40: {  	_ =	shalt  }
0x41: {  	_ =	shalt  }
0x42: {  	_ =	shalt  }
0x43: {  	_ =	shalt  }
0x44: {  	_ =	shalt  }
0x45: {  	_ =	shalt  }
0x46: {  	_ =	shalt  }
0x47: {  	_ =	shalt  }
0x48: {  	_ =	shalt  }
0x49: {  	_ =	shalt  }
0x4a: {  	_ =	shalt  }
0x4b: {  	_ =	shalt  }
0x4c: {  	_ =	shalt  }
0x4d: {  	_ =	shalt  }
0x4e: {  	_ =	shalt  }
0x4f: {  	_ =	shalt  }
0x50: {  	_ =	shalt  }
0x51: {  	_ =	shalt  }
0x52: {  	_ =	shalt  }
0x53: {  	_ =	shalt  }
0x54: {  	_ =	shalt  }
0x55: {  	_ =	shalt  }
0x56: {  	_ =	shalt  }
0x57: {  	_ =	shalt  }
0x58: {  	_ =	shalt  }
0x59: {  	_ =	shalt  }
0x5a: {  	_ =	shalt  }
0x5b: {  	_ =	shalt  }
0x5c: {  	_ =	shalt  }
0x5d: {  	_ =	shalt  }
0x5e: {  	_ =	shalt  }
0x5f: {  	_ =	shalt  }
0x60: {  	_ =	shalt  }
0x61: {  	_ =	shalt  }
0x62: {  	_ =	shalt  }
0x63: {  	_ =	shalt  }
0x64: {  	_ =	shalt  }
0x65: {  	_ =	shalt  }
0x66: {  	_ =	shalt  }
0x67: {  	_ =	shalt  }
0x68: {  	_ =	shalt  }
0x69: {  	_ =	shalt  }
0x6a: {  	_ =	shalt  }
0x6b: {  	_ =	shalt  }
0x6c: {  	_ =	shalt  }
0x6d: {  	_ =	shalt  }
0x6e: {  	_ =	shalt  }
0x6f: {  	_ =	shalt  }
0x70: {  	_ =	shalt  }
0x71: {  	_ =	shalt  }
0x72: {  	_ =	shalt  }
0x73: {  	_ =	shalt  }
0x74: {  	_ =	shalt  }
0x75: {  	_ =	shalt  }
0x76: {  	_ =	shalt  }
0x77: {  	_ =	shalt  }
0x78: {  	_ =	shalt  }
0x79: {  	_ =	shalt  }
0x7a: {  	_ =	shalt  }
0x7b: {  	_ =	shalt  }
0x7c: {  	_ =	shalt  }
0x7d: {  	_ =	shalt  }
0x7e: {  	_ =	shalt  }
0x7f: {  	_ =	shalt  }
0x80: {  	_ =	shalt  }
0x81: {  	_ =	shalt  }
0x82: {  	_ =	shalt  }
0x83: {  	_ =	shalt  }
0x84: {  	_ =	shalt  }
0x85: {  	_ =	shalt  }
0x86: {  	_ =	shalt  }
0x87: {  	_ =	shalt  }
.Lfunc_end0:
.L_simem_size_0:
called_computation_lowered:
.L_overlay_start_0:
0x88: {  	s2 =	sld [smem:$0x3FD9]  }
0x89: {  	s3 =	sld [smem:$0x3FFE];
	_ =	sdelay $0x1  }
0x8a: {  	s1 =	srdreg.scid  }
0x8b: {  	s0 =	sand.u32 $0x1, s1  }
0x8c: {  	s17 =	sshll.u32 s0, $0xA;
	s2 =	sadd.s32 s3, s2  }
0x8d: {  	s2 =	sadd.s32 s2, s17  }
0x8e: {  	[smem:$0x3FB5] =	sst s2  }
0x8f: {  	_ = 	snop  }
0x90: {  	s2 =	sld [smem:$0x3FD0];
	(tm) =	ssettm $0x1  }
0x91: {  	s18 =	sld [smem:$0x3FFB];
	_ =	sdelay $0x3  }
0x92: {  	_ =	strace s18  }
0x93: {  	s3 =	sld [smem:$0x3FFC];
	_ =	sdelay $0x3  }
0x94: {  	_ =	strace s3  }
0x95: {  	s3 =	sld [smem:$0x3FFD];
	_ =	sdelay $0x3  }
0x96: {  	_ =	strace s3  }
0x97: {  	_ =	strace $0x8FFFFFFF  }
0x98: {  	s19 =	sld [smem:$0x3FDB];
	_ =	sdelay $0x1  }
0x99: {  	s4 =	simm.s32 $_scs_section_size  }
0x9a: {  	s5 =	simm.s32 $_size__tile_overlayer_lowered;
	s6 =	simm.s32 $_tile_overlayer_lowered  }
0x9b: {  	s22 =	simm.s32 $0x1BFF;
	s21 =	sshll.u32 s6, $0x1;
	s3 =	sadd.s32 s4, s19  }
0x9c: {  	s7 =	simm.s32 $0x0;
	s20 =	sshll.u32 s5, $0x1;
	s5 =	sadd.s32 s21, s3  }
0x9d: {  	[timem:s7], [sflag:s22] =	dma.local [hbm:s5], s20  }
0x9e: {  	_ =	swait.ge [sflag:s22], s20  }
0x9f: {  	s4 =	ssub.s32 $0x0, s20;
	[sflag:s22] =	ssyncset.done $0x0  }
0xa0: {  	[sflag:s22] =	ssyncadd.s32 s4;
	_ =	sdelay $0x1  }
0xa1: {  	s23 =	simm.s32 $0x1B8B  }
0xa2: {  	_ =	swait.ge [sflag:s23], $0x1  }
0xa3: {  	[sflag:s23] =	ssyncset.done $0x0  }
0xa4: {  	s25 =	simm.s32 $0x1B8E;
	s24 =	sld [smem:$0x3FFE];
	[sflag:s23] =	ssyncadd.s32 $0xFFFFFFFF  }
0xa5: {  	s26 =	simm.s32 $execute0_lowered;
	[smem:$0x3FD2] =	sst s25  }
0xa6: {  	s5 =	sshll.u32 s26, $0x1;
	_ =	strace $0x80000046;
	[dreg:$0x1] =	wrdreg $0xFFFFFFFF  }
0xa7: {  	s28 =	simm.s32 $_size_execute0_lowered;
	s3 =	sadd.s32 s3, s5;
	[dreg:$0x0] =	wrdreg $0x0  }
0xa8: {  	s5 =	sshll.u32 s28, $0x1;
	[dreg:$0x2] =	wrdreg s3  }
0xa9: {  	[dreg:$0x3] =	wrdreg s5  }
0xaa: {  	[dreg:$0x4] =	wrdreg $0xC0  }
0xab: {  	_ =	task [dreg:s7], $0x5FFFF  }
0xac: {  	[dreg:$0x1] =	wrdreg $0xFFFFFFFF  }
0xad: {  	[dreg:$0x0] =	wrdreg $0x60  }
0xae: {  	[dreg:$0x2] =	wrdreg s24  }
0xaf: {  	[dreg:$0x3] =	wrdreg s2  }
0xb0: {  	[dreg:$0x4] =	wrdreg $0x0  }
0xb1: {  	[dreg:$0x5] =	wrdreg $0x1E0800  }
0xb2: {  	[dreg:$0x6] =	wrdreg $0x9  }
0xb3: {  	_ =	task.clear_ibuf [dreg:s7], $0x7FFFF;
	_ =	strace $0x90000046  }
0xb4: {  	s29 =	simm.s32 $0x9;
	_ =	strace $0x80000048  }
0xb5: {  	_ =	swait.ge [sflag:s29], $0x1  }
0xb6: {  	[sflag:s29] =	ssyncadd.s32 $0xFFFFFFFF  }
0xb7: {  	_ =	strace $0x90000048  }
0xb8: {  	_ =	sfence  }
0xb9: {  	s30 =	sld [smem:$0x0];
	_ =	sdelay $0x2  }
0xba: {  	s31 =	sshll.u32 s1, $0xD;
	s1 =	sshrl.u32 s1, $0x2  }
0xbb: {  	s3 =	sand.u32 $0x4000, s31;
	s1 =	sadd.s32 s1, s30  }
0xbc: {  	s0 =	sor.u32 s3, s0;
	s1 =	sshll.u32 s1, $0x11  }
0xbd: {  	s0 =	sor.u32 s1, s0  }
0xbe: {  	s0 =	sadd.s32 $0x8F2B, s0  }
0xbf: {  	[sflag:s0] =	ssyncadd.remote.s32 $0x1  }
0xc0: {  	_ =	sfence.sel $0xFFFF  }
0xc1: {  	[dreg:$0x0] =	wrdreg $0xFFFFFFFF;
	(pc) =	sbr.abs _section_cstart, $3  }
0xc2: {  	[dreg:$0x1] =	wrdreg $0xFFFFFFFF  }
0xc3: {  	_ =	task.clear_ibuf [dreg:s7], $0x2FFFF;
	_ =	strace $0x9FFFFFFF  }
0xc4: {  	(tm) =	ssettm $0x7FFFFFFF  }
0xc5: {  	_ =	shalt  }
tec
execute0_lowered:
.L_overlay_start_1:
0x0: {  	(tag) =	ssettag $0x1  }
0x1: {  	s0 =	rddreg [dreg:$0x0]  }
0x2: {  	s2 =	rddreg [dreg:$0x1]  }
0x3: {  	s3 =	rddreg [dreg:$0x2]  }
0x4: {  	s4 =	rddreg [dreg:$0x3]  }
0x5: {  	s1 =	stileid.u32;
	s6 =	srdreg.scid  }
0x6: {  	s5 =	simm.s32 $0x0;
	s19 =	simm.s32 $0x15000;
	s20 =	simm.s32 $0x80  }
0x7: {  	s21 =	simm.s32 $0x16080;
	s22 =	simm.s32 $0x14080;
	s23 =	simm.s32 $0x1A080  }
0x8: {  	s24 =	simm.s32 $0x1;
	s25 =	simm.s32 $0x16000;
	s7 =	smul.u32 $0x2800, s1  }
0x9: {  	s10 =	smul.u32 $0x280, s1;
	s11 =	sand.u32 $0x1, s6;
	[smem:$0x7FF] =	sst s5  }
0xa: {  	s6 =	sadd.s32 $0x4C00, s0;
	s13 =	smul.u32 $0x50000, s1;
	s29 =	sshll.u32 s1, $0x6  }
0xb: {  	s8 =	smul.u32 $0x2800, s11;
	_ =	strace $0x80000047;
	s9 =	ssub.s32 $0x2, s11  }
0xc: {  	p0 =	seq.s32 s11, $0x0;
	p1 =	seq.s32 s11, $0x1;
	s14 =	sadd.s32 s7, s0  }
0xd: {  	s26 =	sshrl.u32 s10, $0x3;
	s12 =	sshrl.u32 s9, $0x1;
	s7 =	smul.u32 $0x5000, s1  }
0xe: {  	s28 =	sshrl.u32 s13, $0x2;
	s18 =	sadd.s32 s10, s4;
	s13 =	simm.s32 $0x36C00  }
0xf: {  	s8 =	sadd.s32 s10, s8;
	s15 =	sadd.s32 s26, s0;
	s12 =	ssub.s32 s9, s12  }
0x10: {  	s17 =	sadd.s32 s28, s3;
	s30 =	sadd.s32 $0x5F200, s14;
	s9 =	sor.u32 $0x1C04, s29  }
0x11: {  	s13 =	simm.s32 @!p0 $0xEC00;
	s26 =	simm.s32 $0x2;
	s8 =	sshrl.u32 s8, $0x3  }
.Ltmp0:
0x12: {  	[dreg:$0x5] =	wrdreg s30;
	s31 =	sadd.s32 $0x5EC00, s15;
	(pc) =	sbr.rel .LBB2_1-.Ltmp0, $4  }
0x13: {  	s15 =	simm.s32 $0xAFC00;
	s12 =	smax.u32 s12, $0x1;
	s13 =	sadd.s32 s13, s0  }
0x14: {  	s16 =	sadd.s32 s8, s0;
	[dreg:$0x6] =	wrdreg s31;
	s15 =	simm.s32 @!p1 $0x87200  }
0x15: {  	s11 =	sadd.s32 $0xAF200, s16;
	s14 =	sadd.s32 s15, s14;
	s15 =	sshrl.u32 s17, $0x3  }
0x16: {  	v0 =	vimm.f32 $1.000000000e+00;
	s16 =	simm.s32 $0x4;
	s17 =	sshrl.u32 s18, $0x3;
	s18 =	simm.s32 $0x14000  }
.LBB2_6:
0x17: {  	s0 =	simm.s32 @!p0 $0x3  }
0x18: {  	_ =	swait.ge @!p0 [sflag:s0], $0x80  }
0x19: {  	[sflag:s0] =	ssyncset.done @!p0 $0x0  }
0x1a: {  	[sflag:s0] =	ssyncadd.s32 @!p0 $0xFFFFFF80  }
0x1b: {  	[bflag:$0x0] =	sbarrier.arrive $0xFFFF  }
0x1c: {  	[hbm:s14], [sflag:s9] =	dma.local [spmem:s15], $0x2800  }
0x1d: {  	s5 =	sadd.s32 $0x1, s5;
	_ =	swait.ge [sflag:s16], $0x2800  }
0x1e: {  	p1 =	sne.s32 s5, s12;
	[sflag:s16] =	ssyncset.done $0x0  }
.Ltmp1:
0x1f: {  	[sflag:s16] =	ssyncadd.s32 $0xFFFFD800;
	(pc) =	sbr.rel @!p1 .LBB2_7-.Ltmp1, $4  }
0x20: {  	[hbm:s11], [sflag:s9] =	dma.local [spmem:s17], $0x50  }
0x21: {  	_ =	swait.ge [sflag:s16], $0x50  }
0x22: {  	[sflag:s16] =	ssyncset.done $0x0  }
0x23: {  	[sflag:s16] =	ssyncadd.s32 $0xFFFFFFB0  }
.LBB2_1:
0x24: {  	s0 =	rddreg [dreg:$0x5]  }
0x25: {  	[spmem:s15], [sflag:s9] =	dma.local [hbm:s0], $0x2800  }
0x26: {  	_ =	swait.ge [sflag:s16], $0x2800  }
0x27: {  	[sflag:s16] =	ssyncset.done $0x0  }
0x28: {  	s31 =	rddreg [dreg:$0x6];
	[sflag:s16] =	ssyncadd.s32 $0xFFFFD800  }
0x29: {  	[spmem:s17], [sflag:s9] =	dma.local [hbm:s31], $0x50  }
0x2a: {  	_ =	swait.ge [sflag:s16], $0x50  }
0x2b: {  	[sflag:s16] =	ssyncset.done $0x0  }
0x2c: {  	[sflag:s16] =	ssyncadd.s32 $0xFFFFFFB0  }
0x2d: {  	[tilespmem:$0x1E300] =	vst v0  }
0x2e: {  	[tilespmem:$0x1E310] =	vst v0  }
0x2f: {  	[tilespmem:$0x1E320] =	vst v0  }
0x30: {  	[tilespmem:$0x1E330] =	vst v0  }
0x31: {  	[tilespmem:$0x1E340] =	vst v0  }
.Ltmp2:
0x32: {  	[tilespmem:$0x1E350] =	vst v0;
	(pc) =	sbr.rel .LBB2_2-.Ltmp2, $4  }
0x33: {  	[tilespmem:$0x1E360] =	vst v0  }
0x34: {  	[tilespmem:$0x1E370] =	vst v0  }
0x35: {  	[bflag:$0x0] =	sbarrier.arrive $0xFFFF  }
0x36: {  	s28 =	simm.s32 $0x0;
	s29 =	simm.s32 $0x0  }
.LBB2_5:
0x37: {  	s29 =	sadd.s32 $0x1, s29  }
0x38: {  	p1 =	sne.s32 s29, $0x5  }
.Ltmp3:
0x39: {  	_ = 	snop;
	(pc) =	sbr.rel @!p1 .LBB2_6-.Ltmp3, $2  }
0x3a: {  	_ =	sdelay $0x2  }
0x3b: {  	s28 =	sadd.s32 $0x20, s28  }
.LBB2_2:
0x3c: {  	s0 =	sshll.u32 s29, $0xC  }
0x3d: {  	s0 =	sadd.s32 s7, s0  }
0x3e: {  	s0 =	sshrl.u32 s0, $0x3  }
0x3f: {  	s30 =	simm.s32 $0x0;
	s31 =	sadd.s32 s2, s0  }
0x40: {  	[tilespmem:s18], [sflag:$0x4] =	stream.linear.gather [hbm4b:s31+s30], $0x1000, $0x38;
	[tilespmem:$0x1E380] =	vst v63  }
0x41: {  	_ =	swait.ge [sflag:s16], $0x1000  }
0x42: {  	[sflag:s16] =	ssyncset.done $0x0  }
0x43: {  	s0 =	sadd.s32 s6, s0;
	[sflag:s16] =	ssyncadd.s32 $0xFFFFF000  }
0x44: {  	[tilespmem:s19], [sflag:$0x4] =	stream.linear.gather [hbm4b:s0+s30], $0x1000, $0x38;
	[tilespmem:$0x1E380] =	vst v63  }
0x45: {  	_ =	swait.ge [sflag:s16], $0x1000  }
0x46: {  	[sflag:s16] =	ssyncset.done $0x0  }
0x47: {  	[sflag:s16] =	ssyncadd.s32 $0xFFFFF000  }
0x48: {  	[tilespmem:s21], [sflag:$0x1] =	stream.indirect.gather [hbm4b:s13+s20], $0x80, s18, s20, $0xb8;
	[tilespmem:$0x1E380] =	vst v63  }
0x49: {  	s31 =	smov.u32 s28  }
0x4a: {  	[tilespmem:s23], [sflag:$0x2] =	stream.indirect.gather [hbm4b:s13+s20], $0x80, s22, s20, $0xb8;
	[tilespmem:$0x1E380] =	vst v63  }
.LBB2_3:
0x4b: {  	p1 =	sgt.u32 s31, $0x50  }
0x4c: {  	p2 =	por !p1, !p1  }
0x4d: {  	_ =	swait.ge [sflag:s24], $0x4000;
	p3 =	seq.s32 s31, $0x0;
	p2 =	por @!p0 p1, p1  }
0x4e: {  	[sflag:s24] =	ssyncset.done $0x0;
	p1 =	por !p2, p3  }
0x4f: {  	[sflag:s24] =	ssyncadd.s32 $0xFFFFC000;
	s0 =	simm.s32 @!p1 $0x3  }
0x50: {  	_ =	swait.ge @!p1 [sflag:s0], $0x80  }
0x51: {  	[sflag:s0] =	ssyncset.done @!p1 $0x0  }
0x52: {  	[sflag:s0] =	ssyncadd.s32 @!p1 $0xFFFFFF80;
	s0 =	sshra.s32 s30, $0x2  }
0x53: {  	v1 =	vld [tilespmem:s0+$0x15000];
	_ =	sdelay $0x4  }
0x54: {  	[tilespmem:$0x16000] =	vst v1  }
0x55: {  	v1 =	vld [tilespmem:s0+$0x15010];
	_ =	sdelay $0x4  }
0x56: {  	[tilespmem:$0x16010] =	vst v1  }
0x57: {  	v1 =	vld [tilespmem:s0+$0x15020];
	_ =	sdelay $0x4  }
0x58: {  	[tilespmem:$0x16020] =	vst v1  }
0x59: {  	v1 =	vld [tilespmem:s0+$0x15030];
	_ =	sdelay $0x4  }
0x5a: {  	[tilespmem:$0x16030] =	vst v1  }
0x5b: {  	v1 =	vld [tilespmem:s0+$0x15040];
	_ =	sdelay $0x4  }
0x5c: {  	[tilespmem:$0x16040] =	vst v1  }
0x5d: {  	v1 =	vld [tilespmem:s0+$0x15050];
	_ =	sdelay $0x4  }
0x5e: {  	[tilespmem:$0x16050] =	vst v1  }
0x5f: {  	v1 =	vld [tilespmem:s0+$0x15060];
	_ =	sdelay $0x4  }
0x60: {  	[tilespmem:$0x16060] =	vst v1  }
0x61: {  	v1 =	vld [tilespmem:s0+$0x15070];
	_ =	sdelay $0x3  }
0x62: {  	s1 =	simm.s32 $0x1;
	s8 =	simm.s32 $0x1;
	p2 =	sgt.u32 s31, $0x4F  }
0x63: {  	s8 =	simm.s32 @!p0 $0x0;
	s1 =	simm.s32 @!p2 $0x0;
	[tilespmem:$0x16070] =	vst v1  }
0x64: {  	[spmem:s3] =	stream.indirect.scatter.add.f32 [tilespmem:s21], [sflag:$0x4], $0x80, s25, s20, $0xb8;
	[tilespmem:$0x1E380] =	vst v63  }
0x65: {  	p1 =	seq.s32 s8, s1;
	_ =	swait.ge [sflag:s16], $0x4000  }
0x66: {  	s1 =	simm.s32 @!p1 $0x80;
	[sflag:s16] =	ssyncset.done $0x0  }
0x67: {  	s8 =	simm.s32 @!p1 $0x16000;
	s10 =	simm.s32 @!p1 $0x1E300;
	[sflag:s16] =	ssyncadd.s32 $0xFFFFC000  }
0x68: {  	[spmem:s4] =	stream.indirect.scatter.add.f32 @!p1 [tilespmem:s10], [sflag:$0x3], $0x1, s8, s1, $0xb8;
	[tilespmem:$0x1E380] =	vst v63  }
0x69: {  	p1 =	seq.s32 s30, $0x3C00  }
0x6a: {  	s1 =	sshra.s32 @!p1 s30, $0x2  }
0x6b: {  	s8 =	simm.s32 @!p1 $0x80;
	s10 =	simm.s32 @!p1 $0x16080;
	s1 =	sadd.s32 @!p1 $0x14100, s1  }
0x6c: {  	[tilespmem:s10], [sflag:$0x1] =	stream.indirect.gather @!p1 [hbm4b:s13+s8], $0x80, s1, s8, $0xb8;
	[tilespmem:$0x1E380] =	vst v63  }
0x6d: {  	p3 =	por !p2, !p2;
	_ =	swait.ge [sflag:s26], $0x4000  }
0x6e: {  	p3 =	por @!p0 p2, p2;
	[sflag:s26] =	ssyncset.done $0x0  }
0x6f: {  	s1 =	simm.s32 @p3 $0x3;
	[sflag:s26] =	ssyncadd.s32 $0xFFFFC000  }
0x70: {  	_ =	swait.ge @p3 [sflag:s1], $0x80  }
0x71: {  	[sflag:s1] =	ssyncset.done @p3 $0x0  }
0x72: {  	[sflag:s1] =	ssyncadd.s32 @p3 $0xFFFFFF80  }
0x73: {  	v1 =	vld [tilespmem:s0+$0x15080];
	_ =	sdelay $0x4  }
0x74: {  	[tilespmem:$0x16000] =	vst v1  }
0x75: {  	v1 =	vld [tilespmem:s0+$0x15090];
	_ =	sdelay $0x4  }
0x76: {  	[tilespmem:$0x16010] =	vst v1  }
0x77: {  	v1 =	vld [tilespmem:s0+$0x150A0];
	_ =	sdelay $0x4  }
0x78: {  	[tilespmem:$0x16020] =	vst v1  }
0x79: {  	v1 =	vld [tilespmem:s0+$0x150B0];
	_ =	sdelay $0x4  }
0x7a: {  	[tilespmem:$0x16030] =	vst v1  }
0x7b: {  	v1 =	vld [tilespmem:s0+$0x150C0];
	_ =	sdelay $0x4  }
0x7c: {  	[tilespmem:$0x16040] =	vst v1  }
0x7d: {  	v1 =	vld [tilespmem:s0+$0x150D0];
	_ =	sdelay $0x4  }
0x7e: {  	[tilespmem:$0x16050] =	vst v1  }
0x7f: {  	v1 =	vld [tilespmem:s0+$0x150E0];
	_ =	sdelay $0x4  }
0x80: {  	[tilespmem:$0x16060] =	vst v1  }
0x81: {  	v1 =	vld [tilespmem:s0+$0x150F0];
	_ =	sdelay $0x4  }
0x82: {  	[tilespmem:$0x16070] =	vst v1  }
0x83: {  	[spmem:s3] =	stream.indirect.scatter.add.f32 [tilespmem:s23], [sflag:$0x4], $0x80, s25, s20, $0xb8;
	[tilespmem:$0x1E380] =	vst v63  }
.Ltmp4:
0x84: {  	p2 =	slt.u32 s31, $0x50;
	p3 =	sgt.u32 s31, $0x4E;
	(pc) =	sbr.rel @p1 .LBB2_5-.Ltmp4, $4  }
0x85: {  	p2 =	por @!p0 p3, p3;
	_ =	swait.ge [sflag:s16], $0x4000  }
0x86: {  	s1 =	simm.s32 @p2 $0x80;
	[sflag:s16] =	ssyncset.done $0x0  }
0x87: {  	s8 =	simm.s32 @p2 $0x16000;
	s10 =	simm.s32 @p2 $0x1E300;
	[sflag:s16] =	ssyncadd.s32 $0xFFFFC000  }
0x88: {  	[spmem:s4] =	stream.indirect.scatter.add.f32 @p2 [tilespmem:s10], [sflag:$0x3], $0x1, s8, s1, $0xb8;
	[tilespmem:$0x1E380] =	vst v63  }
.Ltmp5:
0x89: {  	(pc) =	sbr.rel .LBB2_3-.Ltmp5, $3  }
0x8a: {  	_ =	sdelay $0x1  }
0x8b: {  	s0 =	sadd.s32 $0x14180, s0;
	s31 =	sadd.s32 $0x2, s31;
	s30 =	sadd.s32 $0x400, s30  }
0x8c: {  	[tilespmem:s23], [sflag:$0x2] =	stream.indirect.gather [hbm4b:s13+s20], $0x80, s0, s20, $0xb8;
	[tilespmem:$0x1E380] =	vst v63  }
.LBB2_7:
0x8d: {  	_ =	sfence.sel $0x180000  }
0x8e: {  	[bflag:$0x0] =	sbarrier.arrive $0xFFFF  }
0x8f: {  	_ =	strace $0x90000047  }
0x90: {  	s0 =	stileid.u32;
	[bflag:$0x2] =	sbarrier.arrive $0xFFFF  }
0x91: {  	p0 =	sne.s32 s0, $0x0;
	s0 =	rddreg [dreg:$0x4]  }
0x92: {  	s0 =	sadd.s32 @!p0 $0x100000, s0  }
0x93: {  	[sflag:s0] =	ssyncadd.tile.s32 @!p0 $0x1;
	_ =	shalt  }
.Lfunc_end2:
_tile_overlayer_lowered:
.L_overlay_start_2:
0x94: {  	(tag) =	ssettag $0x2  }
0x95: {  	s0 =	rddreg [dreg:$0x0];
	s2 =	stileid.u32  }
0x96: {  	s1 =	rddreg [dreg:$0x1];
	p0 =	sne.s32 s2, $0x0  }
0x97: {  	s3 =	rddreg [dreg:$0x2];
	[bflag:$0x3] =	sbarrier.arrive $0xFFFF;
	s2 =	simm.s32 @!p0 $0x1C04  }
0x98: {  	[timem:s3], [sflag:s2] =	dma.local @!p0 [hbm:s0], s1  }
0x99: {  	s0 =	simm.s32 @!p0 $0x4  }
0x9a: {  	_ =	swait.ge @!p0 [sflag:s0], s1  }
0x9b: {  	s1 =	ssub.s32 @!p0 $0x0, s1;
	[sflag:s0] =	ssyncset.done @!p0 $0x0  }
0x9c: {  	[sflag:s0] =	ssyncadd.s32 @!p0 s1  }
0x9d: {  	[bflag:$0x3] =	sbarrier.arrive $0xFFFF  }
0x9e: {  	_ =	shalt  }

// kernel: sc_agg_l2.3.cloned.1.call-start
scs
__scs_entry_jumppad:
0x0: {  	(pc) =	sbr.rel $0x88, $3  }
0x1: {  	(tag) =	ssettag $0x0;
	lr =	simm.s32 $0x1  }
0x2: {  	[smem:$0x3F8E] =	sst lr;
	_ =	strace $0xD0000000  }
0x3: {  	_ = 	snop  }
0x4: {  	_ = 	snop  }
0x5: {  	_ = 	snop  }
0x6: {  	_ = 	snop  }
0x7: {  	_ = 	snop  }
__scs_overlays_trampoline_lowered:
0x8: {  	[smem:$0x3F9D] =	sst s0  }
0x9: {  	[smem:$0x3F9E] =	sst s1  }
0xa: {  	[smem:$0x3F9F] =	sst s2  }
0xb: {  	[smem:$0x3FA0] =	sst s3  }
0xc: {  	[smem:$0x3FA1] =	sst s4  }
0xd: {  	[smem:$0x3FA2] =	sst s5  }
0xe: {  	[smem:$0x3FA3] =	sst s6  }
0xf: {  	[smem:$0x3FA4] =	sst s7  }
0x10: {  	[smem:$0x3FA5] =	sst s8  }
0x11: {  	[smem:$0x3FA6] =	sst s9;
	s0 =	simm.s32 @!p0 $0x0  }
0x12: {  	s1 =	sld [smem:$0x3F8C];
	s0 =	simm.s32 @p0 $0x1  }
0x13: {  	[smem:$0x3FA7] =	sst s0;
	s0 =	simm.s32 @!p1 $0x0  }
0x14: {  	s2 =	sld [smem:$0x3F8B];
	s0 =	simm.s32 @p1 $0x1  }
0x15: {  	[smem:$0x3FA8] =	sst s0;
	s0 =	simm.s32 @!p2 $0x0  }
0x16: {  	s3 =	sld [smem:$0x3FDB];
	s0 =	simm.s32 @p2 $0x1  }
0x17: {  	s4 =	simm.s32 $0x1BF5;
	[smem:$0x3FAA] =	sst s0  }
0x18: {  	s0 =	sld [smem:$0x3F8D];
	_ =	swait.ge [sflag:s4], $0x0  }
0x19: {  	s7 =	sld [smem:$0x3F8E]  }
0x1a: {  	s8 =	sadd.s32 $0xFFFFE003, lr  }
0x1b: {  	s9 =	sadd.s32 $0xFFFFFEF7, lr;
	s5 =	simm.s32 $0xFFFFFFFF;
	p2 =	slt.u32 s8, $0xFFFFF086  }
0x1c: {  	p1 =	slt.u32 s9, $0xF7A;
	s5 =	simm.s32 @!p2 $0x0  }
0x1d: {  	s5 =	simm.s32 @p1 $0x1;
	p0 =	seq.s32 s7, s2  }
0x1e: {  	s7 =	smul.u32 @!p0 $0xF7A, s2;
	p2 =	seq.s32 @!p0 s5, $0x0  }
0x1f: {  	s9 =	smul.u32 $0xF7A, s1;
	s8 =	simm.s32 @!p0 $0x1BF5;
	p2 =	por !p2, p0  }
0x20: {  	[sflag:s8] =	ssyncset.s32 @!p0 $0xFFFFF086;
	s6 =	sadd.s32 @!p0 s3, s7;
	s7 =	simm.s32 @!p0 $0x108  }
0x21: {  	s3 =	sadd.s32 s3, s9;
	s6 =	sadd.s32 @!p0 $0x88, s6;
	s7 =	simm.s32 @p2 $0x1082  }
0x22: {  	[simem:s7], [sflag:s8] =	dma.local @!p0 [hbm:s6], $0xF7A  }
0x23: {  	s9 =	sor.u32 $0xD0000000, s2;
	s6 =	simm.s32 $0x108;
	_ =	swait.ge @!p0 [sflag:s8], $0x0  }
0x24: {  	s3 =	sadd.s32 $0x88, s3;
	s6 =	simm.s32 @!p1 $0x1082;
	[sflag:s4] =	ssyncset.s32 $0xFFFFF086  }
0x25: {  	[simem:s6], [sflag:s4] =	dma.local [hbm:s3], $0xF7A  }
0x26: {  	[smem:$0x3F8E] =	sst s1;
	(tag) =	ssettag s2;
	_ =	strace s9  }
0x27: {  	s1 =	sld [smem:$0x3F9E]  }
0x28: {  	s2 =	sld [smem:$0x3F9F]  }
0x29: {  	s4 =	sld [smem:$0x3FA1]  }
0x2a: {  	p0 =	seq.s32 s5, $0x0;
	s5 =	sld [smem:$0x3FA2]  }
0x2b: {  	s6 =	sld [smem:$0x3FA3]  }
0x2c: {  	s7 =	sld [smem:$0x3FA4]  }
0x2d: {  	s3 =	simm.s32 $0x108;
	s8 =	sld [smem:$0x3FA5]  }
0x2e: {  	s3 =	simm.s32 @!p0 $0x1082;
	s9 =	sld [smem:$0x3FA6]  }
0x2f: {  	lr =	sadd.s32 s0, s3;
	s0 =	sld [smem:$0x3F9D]  }
0x30: {  	s3 =	sld [smem:$0x3FA0]  }
0x31: {  	[smem:$0x3FA9] =	sst s10  }
0x32: {  	s10 =	sld [smem:$0x3FA7];
	_ =	sdelay $0x3  }
0x33: {  	p0 =	seq.s32 s10, $0x1;
	s10 =	sld [smem:$0x3FA9];
	_ =	sdelay $0x3  }
0x34: {  	[smem:$0x3FA9] =	sst s10  }
0x35: {  	s10 =	sld [smem:$0x3FA8];
	_ =	sdelay $0x3  }
0x36: {  	p1 =	seq.s32 s10, $0x1;
	s10 =	sld [smem:$0x3FA9];
	_ =	sdelay $0x3  }
0x37: {  	[smem:$0x3FA9] =	sst s10  }
0x38: {  	s10 =	sld [smem:$0x3FAA]  }
0x39: {  	_ = 	snop;
	(pc) =	sbr.ind lr, $3  }
0x3a: {  	_ = 	snop  }
0x3b: {  	_ = 	snop  }
0x3c: {  	p2 =	seq.s32 s10, $0x1;
	s10 =	sld [smem:$0x3FA9]  }
0x3d: {  	_ =	shalt  }
0x3e: {  	_ =	shalt  }
0x3f: {  	_ =	shalt  }
0x40: {  	_ =	shalt  }
0x41: {  	_ =	shalt  }
0x42: {  	_ =	shalt  }
0x43: {  	_ =	shalt  }
0x44: {  	_ =	shalt  }
0x45: {  	_ =	shalt  }
0x46: {  	_ =	shalt  }
0x47: {  	_ =	shalt  }
0x48: {  	_ =	shalt  }
0x49: {  	_ =	shalt  }
0x4a: {  	_ =	shalt  }
0x4b: {  	_ =	shalt  }
0x4c: {  	_ =	shalt  }
0x4d: {  	_ =	shalt  }
0x4e: {  	_ =	shalt  }
0x4f: {  	_ =	shalt  }
0x50: {  	_ =	shalt  }
0x51: {  	_ =	shalt  }
0x52: {  	_ =	shalt  }
0x53: {  	_ =	shalt  }
0x54: {  	_ =	shalt  }
0x55: {  	_ =	shalt  }
0x56: {  	_ =	shalt  }
0x57: {  	_ =	shalt  }
0x58: {  	_ =	shalt  }
0x59: {  	_ =	shalt  }
0x5a: {  	_ =	shalt  }
0x5b: {  	_ =	shalt  }
0x5c: {  	_ =	shalt  }
0x5d: {  	_ =	shalt  }
0x5e: {  	_ =	shalt  }
0x5f: {  	_ =	shalt  }
0x60: {  	_ =	shalt  }
0x61: {  	_ =	shalt  }
0x62: {  	_ =	shalt  }
0x63: {  	_ =	shalt  }
0x64: {  	_ =	shalt  }
0x65: {  	_ =	shalt  }
0x66: {  	_ =	shalt  }
0x67: {  	_ =	shalt  }
0x68: {  	_ =	shalt  }
0x69: {  	_ =	shalt  }
0x6a: {  	_ =	shalt  }
0x6b: {  	_ =	shalt  }
0x6c: {  	_ =	shalt  }
0x6d: {  	_ =	shalt  }
0x6e: {  	_ =	shalt  }
0x6f: {  	_ =	shalt  }
0x70: {  	_ =	shalt  }
0x71: {  	_ =	shalt  }
0x72: {  	_ =	shalt  }
0x73: {  	_ =	shalt  }
0x74: {  	_ =	shalt  }
0x75: {  	_ =	shalt  }
0x76: {  	_ =	shalt  }
0x77: {  	_ =	shalt  }
0x78: {  	_ =	shalt  }
0x79: {  	_ =	shalt  }
0x7a: {  	_ =	shalt  }
0x7b: {  	_ =	shalt  }
0x7c: {  	_ =	shalt  }
0x7d: {  	_ =	shalt  }
0x7e: {  	_ =	shalt  }
0x7f: {  	_ =	shalt  }
0x80: {  	_ =	shalt  }
0x81: {  	_ =	shalt  }
0x82: {  	_ =	shalt  }
0x83: {  	_ =	shalt  }
0x84: {  	_ =	shalt  }
0x85: {  	_ =	shalt  }
0x86: {  	_ =	shalt  }
0x87: {  	_ =	shalt  }
.Lfunc_end0:
.L_simem_size_0:
called_computation.1_lowered:
.L_overlay_start_0:
0x88: {  	s2 =	sld [smem:$0x3FD9]  }
0x89: {  	s3 =	sld [smem:$0x3FFE];
	_ =	sdelay $0x1  }
0x8a: {  	s1 =	srdreg.scid  }
0x8b: {  	s0 =	sand.u32 $0x1, s1  }
0x8c: {  	s17 =	sshll.u32 s0, $0xA;
	s2 =	sadd.s32 s3, s2  }
0x8d: {  	s2 =	sadd.s32 s2, s17  }
0x8e: {  	[smem:$0x3FB5] =	sst s2  }
0x8f: {  	_ = 	snop  }
0x90: {  	s2 =	sld [smem:$0x3FD0];
	(tm) =	ssettm $0x1  }
0x91: {  	s18 =	sld [smem:$0x3FFB];
	_ =	sdelay $0x3  }
0x92: {  	_ =	strace s18  }
0x93: {  	s3 =	sld [smem:$0x3FFC];
	_ =	sdelay $0x3  }
0x94: {  	_ =	strace s3  }
0x95: {  	s3 =	sld [smem:$0x3FFD];
	_ =	sdelay $0x3  }
0x96: {  	_ =	strace s3  }
0x97: {  	_ =	strace $0x8FFFFFFF  }
0x98: {  	s19 =	sld [smem:$0x3FDB];
	_ =	sdelay $0x1  }
0x99: {  	s4 =	simm.s32 $_scs_section_size  }
0x9a: {  	s5 =	simm.s32 $_size__tile_overlayer_lowered;
	s6 =	simm.s32 $_tile_overlayer_lowered  }
0x9b: {  	s22 =	simm.s32 $0x1BFF;
	s21 =	sshll.u32 s6, $0x1;
	s3 =	sadd.s32 s4, s19  }
0x9c: {  	s7 =	simm.s32 $0x0;
	s20 =	sshll.u32 s5, $0x1;
	s5 =	sadd.s32 s21, s3  }
0x9d: {  	[timem:s7], [sflag:s22] =	dma.local [hbm:s5], s20  }
0x9e: {  	_ =	swait.ge [sflag:s22], s20  }
0x9f: {  	s4 =	ssub.s32 $0x0, s20;
	[sflag:s22] =	ssyncset.done $0x0  }
0xa0: {  	[sflag:s22] =	ssyncadd.s32 s4;
	_ =	sdelay $0x1  }
0xa1: {  	s23 =	simm.s32 $0x1B8B  }
0xa2: {  	_ =	swait.ge [sflag:s23], $0x1  }
0xa3: {  	[sflag:s23] =	ssyncset.done $0x0  }
0xa4: {  	s25 =	simm.s32 $0x1B8E;
	s24 =	sld [smem:$0x3FFE];
	[sflag:s23] =	ssyncadd.s32 $0xFFFFFFFF  }
0xa5: {  	s26 =	simm.s32 $execute0_lowered;
	[smem:$0x3FD2] =	sst s25  }
0xa6: {  	s5 =	sshll.u32 s26, $0x1;
	_ =	strace $0x80000049;
	[dreg:$0x1] =	wrdreg $0xFFFFFFFF  }
0xa7: {  	s28 =	simm.s32 $_size_execute0_lowered;
	s3 =	sadd.s32 s3, s5;
	[dreg:$0x0] =	wrdreg $0x0  }
0xa8: {  	s5 =	sshll.u32 s28, $0x1;
	[dreg:$0x2] =	wrdreg s3  }
0xa9: {  	[dreg:$0x3] =	wrdreg s5  }
0xaa: {  	[dreg:$0x4] =	wrdreg $0xC0  }
0xab: {  	_ =	task [dreg:s7], $0x5FFFF  }
0xac: {  	[dreg:$0x1] =	wrdreg $0xFFFFFFFF  }
0xad: {  	[dreg:$0x0] =	wrdreg $0x60  }
0xae: {  	[dreg:$0x2] =	wrdreg s24  }
0xaf: {  	[dreg:$0x3] =	wrdreg s2  }
0xb0: {  	[dreg:$0x4] =	wrdreg $0x0  }
0xb1: {  	[dreg:$0x5] =	wrdreg $0x9  }
0xb2: {  	_ =	task.clear_ibuf [dreg:s7], $0x6FFFF;
	_ =	strace $0x90000049  }
0xb3: {  	s29 =	simm.s32 $0x9;
	_ =	strace $0x8000004B  }
0xb4: {  	_ =	swait.ge [sflag:s29], $0x1  }
0xb5: {  	[sflag:s29] =	ssyncadd.s32 $0xFFFFFFFF  }
0xb6: {  	_ =	strace $0x9000004B  }
0xb7: {  	_ =	sfence  }
0xb8: {  	s30 =	sld [smem:$0x0];
	_ =	sdelay $0x2  }
0xb9: {  	s31 =	sshll.u32 s1, $0xD;
	s1 =	sshrl.u32 s1, $0x2  }
0xba: {  	s3 =	sand.u32 $0x4000, s31;
	s1 =	sadd.s32 s1, s30  }
0xbb: {  	s0 =	sor.u32 s3, s0;
	s1 =	sshll.u32 s1, $0x11  }
0xbc: {  	s0 =	sor.u32 s1, s0  }
0xbd: {  	s0 =	sadd.s32 $0x8F2B, s0  }
0xbe: {  	[sflag:s0] =	ssyncadd.remote.s32 $0x1  }
0xbf: {  	_ =	sfence.sel $0xFFFF  }
0xc0: {  	[dreg:$0x0] =	wrdreg $0xFFFFFFFF;
	(pc) =	sbr.abs _section_cstart, $3  }
0xc1: {  	[dreg:$0x1] =	wrdreg $0xFFFFFFFF  }
0xc2: {  	_ =	task.clear_ibuf [dreg:s7], $0x2FFFF;
	_ =	strace $0x9FFFFFFF  }
0xc3: {  	(tm) =	ssettm $0x7FFFFFFF  }
tec
execute0_lowered:
.L_overlay_start_1:
0x0: {  	(tag) =	ssettag $0x1  }
0x1: {  	s7 =	rddreg [dreg:$0x0]  }
0x2: {  	s1 =	rddreg [dreg:$0x1]  }
0x3: {  	s2 =	rddreg [dreg:$0x2]  }
0x4: {  	s0 =	rddreg [dreg:$0x3];
	s4 =	simm.s32 $0x0;
	s3 =	stileid.u32  }
0x5: {  	s6 =	srdreg.scid;
	s14 =	simm.s32 $0x36C00;
	s15 =	simm.s32 $0x15400  }
0x6: {  	s16 =	simm.s32 $0x80;
	s17 =	simm.s32 $0x16880;
	s18 =	simm.s32 $0x14080  }
0x7: {  	s19 =	simm.s32 $0x1A880;
	s20 =	simm.s32 $0x1;
	s21 =	simm.s32 $0x16800  }
0x8: {  	s22 =	simm.s32 $0x2;
	[smem:$0x7FF] =	sst s4;
	s5 =	sadd.s32 $0xAE400, s7  }
0x9: {  	s8 =	smul.u32 $0x2800, s3;
	s9 =	sand.u32 $0x1, s6;
	s6 =	sadd.s32 $0x4C00, s7  }
0xa: {  	s11 =	smul.u32 $0x50000, s3;
	s31 =	sshll.u32 s3, $0x6;
	_ =	strace $0x8000004A  }
0xb: {  	s10 =	ssub.s32 $0x2, s9;
	s28 =	sshll.u32 s9, $0x4;
	p0 =	seq.s32 s9, $0x1  }
0xc: {  	s9 =	sor.u32 $0x1C03, s31;
	s12 =	sadd.s32 s8, s7;
	s26 =	sshrl.u32 s10, $0x1  }
0xd: {  	s29 =	sor.u32 s3, s28;
	s30 =	sshrl.u32 s11, $0x2;
	s14 =	simm.s32 @!p0 $0xEC00  }
0xe: {  	s10 =	ssub.s32 s10, s26;
	s7 =	smul.u32 $0x2800, s29;
	s13 =	sadd.s32 s30, s2  }
0xf: {  	s8 =	sadd.s32 $0x5F200, s12;
	s11 =	sadd.s32 s14, s12;
	s14 =	simm.s32 $0x14000  }
0x10: {  	s10 =	smax.u32 s10, $0x1;
	s12 =	sshrl.u32 s13, $0x3;
	s13 =	simm.s32 $0x3  }
.LBB2_1:
0x11: {  	[spmem:s12], [sflag:s9] =	dma.local [hbm:s8], $0x2800  }
0x12: {  	_ =	swait.ge [sflag:s13], $0x2800  }
0x13: {  	[sflag:s13] =	ssyncset.done $0x0  }
0x14: {  	[sflag:s13] =	ssyncadd.s32 $0xFFFFD800  }
0x15: {  	p1 =	por $0x1, $0x1;
	s23 =	simm.s32 $0x0;
	[bflag:$0x0] =	sbarrier.arrive $0xFFFF  }
.LBB2_2:
0x16: {  	s23 =	sadd.s32 s7, s23  }
0x17: {  	s23 =	sshrl.u32 s23, $0x3  }
0x18: {  	s25 =	simm.s32 $0x0;
	s24 =	sadd.s32 s1, s23  }
0x19: {  	[tilespmem:s14], [sflag:$0x3] =	stream.linear.gather [hbm4b:s24+s25], $0x1400, $0x38;
	[tilespmem:$0x1E880] =	vst v63  }
0x1a: {  	_ =	swait.ge [sflag:s13], $0x1400  }
0x1b: {  	[sflag:s13] =	ssyncset.done $0x0  }
0x1c: {  	s23 =	sadd.s32 s6, s23;
	[sflag:s13] =	ssyncadd.s32 $0xFFFFEC00  }
0x1d: {  	[tilespmem:s15], [sflag:$0x3] =	stream.linear.gather [hbm4b:s23+s25], $0x1400, $0x38;
	[tilespmem:$0x1E880] =	vst v63  }
0x1e: {  	_ =	swait.ge [sflag:s13], $0x1400  }
0x1f: {  	[sflag:s13] =	ssyncset.done $0x0  }
0x20: {  	[sflag:s13] =	ssyncadd.s32 $0xFFFFEC00  }
0x21: {  	[tilespmem:s17], [sflag:$0x1] =	stream.indirect.gather [hbm4b:s5+s16], $0x80, s14, s16, $0xb8;
	[tilespmem:$0x1E880] =	vst v63  }
0x22: {  	_ = 	snop  }
0x23: {  	[tilespmem:s19], [sflag:$0x2] =	stream.indirect.gather [hbm4b:s5+s16], $0x80, s18, s16, $0xb8;
	[tilespmem:$0x1E880] =	vst v63  }
0x24: {  	_ =	swait.ge [sflag:s20], $0x4000  }
0x25: {  	[sflag:s20] =	ssyncset.done $0x0  }
0x26: {  	s30 =	simm.s32 $0x0;
	[sflag:s20] =	ssyncadd.s32 $0xFFFFC000  }
0x27: {  	v0 =	vld [tilespmem:s30+$0x15400];
	_ =	sdelay $0x4  }
0x28: {  	[tilespmem:$0x16800] =	vst v0  }
0x29: {  	v0 =	vld [tilespmem:s30+$0x15410];
	_ =	sdelay $0x4  }
0x2a: {  	[tilespmem:$0x16810] =	vst v0  }
0x2b: {  	v0 =	vld [tilespmem:s30+$0x15420];
	_ =	sdelay $0x4  }
0x2c: {  	[tilespmem:$0x16820] =	vst v0  }
0x2d: {  	v0 =	vld [tilespmem:s30+$0x15430];
	_ =	sdelay $0x4  }
0x2e: {  	[tilespmem:$0x16830] =	vst v0  }
0x2f: {  	v0 =	vld [tilespmem:s30+$0x15440];
	_ =	sdelay $0x4  }
0x30: {  	[tilespmem:$0x16840] =	vst v0  }
0x31: {  	v0 =	vld [tilespmem:s30+$0x15450];
	_ =	sdelay $0x4  }
0x32: {  	[tilespmem:$0x16850] =	vst v0  }
0x33: {  	v0 =	vld [tilespmem:s30+$0x15460];
	_ =	sdelay $0x4  }
0x34: {  	[tilespmem:$0x16860] =	vst v0  }
0x35: {  	v0 =	vld [tilespmem:s30+$0x15470];
	_ =	sdelay $0x4  }
0x36: {  	[tilespmem:$0x16870] =	vst v0  }
0x37: {  	[spmem:s2] =	stream.indirect.scatter.add.f32 [tilespmem:s17], [sflag:$0x3], $0x80, s21, s16, $0xb8;
	[tilespmem:$0x1E880] =	vst v63  }
0x38: {  	_ =	swait.ge [sflag:s13], $0x4000  }
0x39: {  	[sflag:s13] =	ssyncset.done $0x0  }
0x3a: {  	s31 =	simm.s32 $0x14100;
	[sflag:s13] =	ssyncadd.s32 $0xFFFFC000  }
0x3b: {  	[tilespmem:s17], [sflag:$0x1] =	stream.indirect.gather [hbm4b:s5+s16], $0x80, s31, s16, $0xb8;
	[tilespmem:$0x1E880] =	vst v63  }
0x3c: {  	_ =	swait.ge [sflag:s22], $0x4000  }
0x3d: {  	[sflag:s22] =	ssyncset.done $0x0  }
0x3e: {  	[sflag:s22] =	ssyncadd.s32 $0xFFFFC000  }
0x3f: {  	v63 =	vld [tilespmem:s30+$0x15480];
	_ =	sdelay $0x4  }
0x40: {  	[tilespmem:$0x16800] =	vst v63  }
0x41: {  	v0 =	vld [tilespmem:s30+$0x15490];
	_ =	sdelay $0x4  }
0x42: {  	[tilespmem:$0x16810] =	vst v0  }
0x43: {  	v0 =	vld [tilespmem:s30+$0x154A0];
	_ =	sdelay $0x4  }
0x44: {  	[tilespmem:$0x16820] =	vst v0  }
0x45: {  	v0 =	vld [tilespmem:s30+$0x154B0];
	_ =	sdelay $0x4  }
0x46: {  	[tilespmem:$0x16830] =	vst v0  }
0x47: {  	v0 =	vld [tilespmem:s30+$0x154C0];
	_ =	sdelay $0x4  }
0x48: {  	[tilespmem:$0x16840] =	vst v0  }
0x49: {  	v0 =	vld [tilespmem:s30+$0x154D0];
	_ =	sdelay $0x4  }
0x4a: {  	[tilespmem:$0x16850] =	vst v0  }
0x4b: {  	v0 =	vld [tilespmem:s30+$0x154E0];
	_ =	sdelay $0x4  }
0x4c: {  	[tilespmem:$0x16860] =	vst v0  }
0x4d: {  	v0 =	vld [tilespmem:s30+$0x154F0];
	_ =	sdelay $0x4  }
0x4e: {  	[tilespmem:$0x16870] =	vst v0  }
0x4f: {  	[spmem:s2] =	stream.indirect.scatter.add.f32 [tilespmem:s19], [sflag:$0x3], $0x80, s21, s16, $0xb8;
	[tilespmem:$0x1E880] =	vst v63  }
0x50: {  	_ =	swait.ge [sflag:s13], $0x4000  }
0x51: {  	p0 =	por p1, p1;
	[sflag:s13] =	ssyncset.done $0x0  }
0x52: {  	s24 =	simm.s32 $0x14180;
	s23 =	simm.s32 $0x400;
	[sflag:s13] =	ssyncadd.s32 $0xFFFFC000  }
.LBB2_3:
0x53: {  	[tilespmem:s19], [sflag:$0x2] =	stream.indirect.gather [hbm4b:s5+s16], $0x80, s24, s16, $0xb8;
	[tilespmem:$0x1E880] =	vst v63  }
0x54: {  	s24 =	smov.u32 s23  }
0x55: {  	p1 =	sne.s32 s23, $0x4800;
	s23 =	sadd.s32 $0x400, s23;
	_ =	swait.ge [sflag:s20], $0x4000  }
0x56: {  	[sflag:s20] =	ssyncset.done $0x0  }
0x57: {  	s24 =	sshra.s32 s24, $0x2;
	[sflag:s20] =	ssyncadd.s32 $0xFFFFC000  }
0x58: {  	v0 =	vld [tilespmem:s24+$0x15400];
	_ =	sdelay $0x4  }
0x59: {  	[tilespmem:$0x16800] =	vst v0  }
0x5a: {  	v0 =	vld [tilespmem:s24+$0x15410];
	_ =	sdelay $0x4  }
0x5b: {  	[tilespmem:$0x16810] =	vst v0  }
0x5c: {  	v0 =	vld [tilespmem:s24+$0x15420];
	_ =	sdelay $0x4  }
0x5d: {  	[tilespmem:$0x16820] =	vst v0  }
0x5e: {  	v0 =	vld [tilespmem:s24+$0x15430];
	_ =	sdelay $0x4  }
0x5f: {  	[tilespmem:$0x16830] =	vst v0  }
0x60: {  	v0 =	vld [tilespmem:s24+$0x15440];
	_ =	sdelay $0x4  }
0x61: {  	[tilespmem:$0x16840] =	vst v0  }
0x62: {  	v0 =	vld [tilespmem:s24+$0x15450];
	_ =	sdelay $0x4  }
0x63: {  	[tilespmem:$0x16850] =	vst v0  }
0x64: {  	v0 =	vld [tilespmem:s24+$0x15460];
	_ =	sdelay $0x4  }
0x65: {  	[tilespmem:$0x16860] =	vst v0  }
0x66: {  	v0 =	vld [tilespmem:s24+$0x15470];
	_ =	sdelay $0x4  }
0x67: {  	[tilespmem:$0x16870] =	vst v0  }
0x68: {  	[spmem:s2] =	stream.indirect.scatter.add.f32 [tilespmem:s17], [sflag:$0x3], $0x80, s21, s16, $0xb8;
	[tilespmem:$0x1E880] =	vst v63  }
0x69: {  	_ =	swait.ge [sflag:s13], $0x4000  }
0x6a: {  	[sflag:s13] =	ssyncset.done $0x0  }
0x6b: {  	s25 =	sadd.s32 $0x14100, s24;
	[sflag:s13] =	ssyncadd.s32 $0xFFFFC000  }
0x6c: {  	[tilespmem:s17], [sflag:$0x1] =	stream.indirect.gather [hbm4b:s5+s16], $0x80, s25, s16, $0xb8;
	[tilespmem:$0x1E880] =	vst v63  }
0x6d: {  	_ =	swait.ge [sflag:s22], $0x4000  }
0x6e: {  	[sflag:s22] =	ssyncset.done $0x0  }
0x6f: {  	[sflag:s22] =	ssyncadd.s32 $0xFFFFC000  }
0x70: {  	v0 =	vld [tilespmem:s24+$0x15480];
	_ =	sdelay $0x4  }
0x71: {  	[tilespmem:$0x16800] =	vst v0  }
0x72: {  	v0 =	vld [tilespmem:s24+$0x15490];
	_ =	sdelay $0x4  }
0x73: {  	[tilespmem:$0x16810] =	vst v0  }
0x74: {  	v0 =	vld [tilespmem:s24+$0x154A0];
	_ =	sdelay $0x4  }
0x75: {  	[tilespmem:$0x16820] =	vst v0  }
0x76: {  	v0 =	vld [tilespmem:s24+$0x154B0];
	_ =	sdelay $0x4  }
0x77: {  	[tilespmem:$0x16830] =	vst v0  }
0x78: {  	v0 =	vld [tilespmem:s24+$0x154C0];
	_ =	sdelay $0x4  }
0x79: {  	[tilespmem:$0x16840] =	vst v0  }
0x7a: {  	v0 =	vld [tilespmem:s24+$0x154D0];
	_ =	sdelay $0x4  }
0x7b: {  	[tilespmem:$0x16850] =	vst v0  }
0x7c: {  	v0 =	vld [tilespmem:s24+$0x154E0];
	_ =	sdelay $0x4  }
0x7d: {  	[tilespmem:$0x16860] =	vst v0  }
0x7e: {  	v0 =	vld [tilespmem:s24+$0x154F0];
	_ =	sdelay $0x4  }
.Ltmp0:
0x7f: {  	[tilespmem:$0x16870] =	vst v0;
	(pc) =	sbr.rel @p1 .LBB2_3-.Ltmp0, $4  }
0x80: {  	[spmem:s2] =	stream.indirect.scatter.add.f32 [tilespmem:s19], [sflag:$0x3], $0x80, s21, s16, $0xb8;
	[tilespmem:$0x1E880] =	vst v63  }
0x81: {  	_ =	swait.ge [sflag:s13], $0x4000  }
0x82: {  	[sflag:s13] =	ssyncset.done $0x0  }
0x83: {  	s24 =	sadd.s32 $0x14180, s24;
	[sflag:s13] =	ssyncadd.s32 $0xFFFFC000  }
0x84: {  	[tilespmem:s19], [sflag:$0x2] =	stream.indirect.gather [hbm4b:s5+s16], $0x80, s24, s16, $0xb8;
	[tilespmem:$0x1E880] =	vst v63  }
0x85: {  	_ =	swait.ge [sflag:s20], $0x4000  }
0x86: {  	[sflag:s20] =	ssyncset.done $0x0  }
0x87: {  	[sflag:s20] =	ssyncadd.s32 $0xFFFFC000  }
0x88: {  	v0 =	vld [tilespmem:$0x16700]  }
0x89: {  	v1 =	vld [tilespmem:$0x16710]  }
0x8a: {  	v2 =	vld [tilespmem:$0x16720]  }
0x8b: {  	v3 =	vld [tilespmem:$0x16730]  }
0x8c: {  	v4 =	vld [tilespmem:$0x16740]  }
0x8d: {  	v53 =	vld [tilespmem:$0x16750];
	[tilespmem:$0x16800] =	vst v0  }
0x8e: {  	v54 =	vld [tilespmem:$0x16760];
	[tilespmem:$0x16810] =	vst v1  }
0x8f: {  	v55 =	vld [tilespmem:$0x16770];
	[tilespmem:$0x16820] =	vst v2  }
0x90: {  	[tilespmem:$0x16830] =	vst v3  }
0x91: {  	[tilespmem:$0x16840] =	vst v4  }
0x92: {  	[tilespmem:$0x16850] =	vst v53  }
0x93: {  	[tilespmem:$0x16860] =	vst v54  }
0x94: {  	[tilespmem:$0x16870] =	vst v55  }
0x95: {  	[spmem:s2] =	stream.indirect.scatter.add.f32 [tilespmem:s17], [sflag:$0x3], $0x80, s21, s16, $0xb8;
	[tilespmem:$0x1E880] =	vst v63  }
0x96: {  	_ =	swait.ge [sflag:s13], $0x4000  }
0x97: {  	[sflag:s13] =	ssyncset.done $0x0  }
0x98: {  	[sflag:s13] =	ssyncadd.s32 $0xFFFFC000  }
0x99: {  	_ =	swait.ge [sflag:s22], $0x4000  }
0x9a: {  	[sflag:s22] =	ssyncset.done $0x0  }
0x9b: {  	[sflag:s22] =	ssyncadd.s32 $0xFFFFC000  }
0x9c: {  	v56 =	vld [tilespmem:$0x16780]  }
0x9d: {  	v57 =	vld [tilespmem:$0x16790]  }
0x9e: {  	v58 =	vld [tilespmem:$0x167A0]  }
0x9f: {  	v59 =	vld [tilespmem:$0x167B0]  }
0xa0: {  	v60 =	vld [tilespmem:$0x167C0]  }
0xa1: {  	v61 =	vld [tilespmem:$0x167D0];
	[tilespmem:$0x16800] =	vst v56  }
0xa2: {  	v62 =	vld [tilespmem:$0x167E0];
	[tilespmem:$0x16810] =	vst v57  }
0xa3: {  	v63 =	vld [tilespmem:$0x167F0];
	[tilespmem:$0x16820] =	vst v58  }
0xa4: {  	[tilespmem:$0x16830] =	vst v59  }
0xa5: {  	[tilespmem:$0x16840] =	vst v60  }
0xa6: {  	[tilespmem:$0x16850] =	vst v61  }
0xa7: {  	[tilespmem:$0x16860] =	vst v62  }
.Ltmp1:
0xa8: {  	[tilespmem:$0x16870] =	vst v63;
	(pc) =	sbr.rel @p0 .LBB2_2-.Ltmp1, $4  }
0xa9: {  	[spmem:s2] =	stream.indirect.scatter.add.f32 [tilespmem:s19], [sflag:$0x3], $0x80, s21, s16, $0xb8;
	[tilespmem:$0x1E880] =	vst v63  }
0xaa: {  	_ =	swait.ge [sflag:s13], $0x4000  }
0xab: {  	[sflag:s13] =	ssyncset.done $0x0  }
0xac: {  	s23 =	simm.s32 $0x1400;
	p1 =	por $0x0, $0x0;
	[sflag:s13] =	ssyncadd.s32 $0xFFFFC000  }
0xad: {  	s4 =	sadd.s32 $0x1, s4  }
0xae: {  	p0 =	sne.s32 s4, s10  }
.Ltmp2:
0xaf: {  	[bflag:$0x0] =	sbarrier.arrive $0xFFFF;
	(pc) =	sbr.rel @p0 .LBB2_1-.Ltmp2, $4  }
0xb0: {  	[hbm:s11], [sflag:s9] =	dma.local [spmem:s12], $0x2800  }
0xb1: {  	_ =	swait.ge [sflag:s13], $0x2800  }
0xb2: {  	[sflag:s13] =	ssyncset.done $0x0  }
0xb3: {  	[sflag:s13] =	ssyncadd.s32 $0xFFFFD800  }
0xb4: {  	_ =	sfence.sel $0x180000  }
0xb5: {  	[bflag:$0x0] =	sbarrier.arrive $0xFFFF  }
0xb6: {  	p0 =	sne.s32 s3, $0x0;
	_ =	strace $0x9000004A  }
0xb7: {  	s0 =	sadd.s32 @!p0 $0x100000, s0;
	[bflag:$0x2] =	sbarrier.arrive $0xFFFF  }
0xb8: {  	[sflag:s0] =	ssyncadd.tile.s32 @!p0 $0x1;
	_ =	shalt  }
.Lfunc_end2:
_tile_overlayer_lowered:
.L_overlay_start_2:
0xb9: {  	(tag) =	ssettag $0x2  }
0xba: {  	s0 =	rddreg [dreg:$0x0];
	s2 =	stileid.u32  }
0xbb: {  	s1 =	rddreg [dreg:$0x1];
	p0 =	sne.s32 s2, $0x0  }
0xbc: {  	s3 =	rddreg [dreg:$0x2];
	[bflag:$0x3] =	sbarrier.arrive $0xFFFF;
	s2 =	simm.s32 @!p0 $0x1C03  }
0xbd: {  	[timem:s3], [sflag:s2] =	dma.local @!p0 [hbm:s0], s1  }
0xbe: {  	s0 =	simm.s32 @!p0 $0x3  }
0xbf: {  	_ =	swait.ge @!p0 [sflag:s0], s1  }
0xc0: {  	s1 =	ssub.s32 @!p0 $0x0, s1;
	[sflag:s0] =	ssyncset.done @!p0 $0x0  }
0xc1: {  	[sflag:s0] =	ssyncadd.s32 @!p0 s1  }
0xc2: {  	[bflag:$0x3] =	sbarrier.arrive $0xFFFF  }
0xc3: {  	_ =	shalt  }

</sc_bundles>
